<compile_context>
chip_gen: v7x
topology: tpu7x:2x2x1
jax: 0.10.2.dev20260603
libtpu: 0.0.44.dev20260713+nightly
codegen_flags: <defaults>
</compile_context>

<pallas_src>
import functools

import jax
import jax.numpy as jnp
from jax import lax
from jax.experimental import pallas as pl
from jax.experimental.pallas import tpu as pltpu
from jax.experimental.pallas import tpu_sc as plsc

_B = 16384
_D = 32
_NC = 2
_NS = 16
_NW = _NC * _NS
_BPW = _B // _NW
_CH = 128
_NCH = _BPW // _CH
_RCH = 4096


def _repack_body(um_ref, im_ref, o_um, o_im):
    o_um[...] = jnp.swapaxes(um_ref[...], 0, 1)
    o_im[...] = jnp.swapaxes(im_ref[...], 0, 1)


def _tc_repack(tT_um, tT_im):
    n = tT_um.shape[1]
    grid = pl.cdiv(n, _RCH)
    in_spec = pl.BlockSpec((_D, _RCH), lambda i: (0, i))
    out_spec = pl.BlockSpec((_RCH, _D), lambda i: (i, 0))
    return pl.pallas_call(
        _repack_body,
        grid=(grid,),
        in_specs=[in_spec] * 2,
        out_specs=[out_spec] * 2,
        out_shape=[jax.ShapeDtypeStruct((n, _D), jnp.float32)] * 2,
    )(tT_um, tT_im)


def _sc_gather(uid, iid, t_um, t_im, t_ug, t_ig):
    mesh = plsc.VectorSubcoreMesh(core_axis_name="c", subcore_axis_name="s")

    @functools.partial(
        pl.kernel,
        out_type=[jax.ShapeDtypeStruct((_B, _D), jnp.float32)] * 4,
        mesh=mesh,
        compiler_params=pltpu.CompilerParams(use_tc_tiling_on_sc=False),
        scratch_types=[
            pltpu.VMEM((_BPW,), jnp.int32),
            pltpu.VMEM((_BPW,), jnp.int32),
            pltpu.VMEM((_BPW, _D), jnp.float32),
            pltpu.VMEM((_BPW, _D), jnp.float32),
            pltpu.VMEM((_BPW, _D), jnp.float32),
            pltpu.VMEM((_BPW, _D), jnp.float32),
            pltpu.SemaphoreType.DMA,
            pltpu.SemaphoreType.DMA,
        ],
    )
    def k(uid_hbm, iid_hbm, um_hbm, im_hbm, ug_hbm, ig_hbm,
          o_um, o_im, o_ug, o_ig,
          uid_v, iid_v, um_v, im_v, ug_v, ig_v, gsem, wsem):
        wid = lax.axis_index("s") * _NC + lax.axis_index("c")
        base = wid * _BPW
        pltpu.sync_copy(uid_hbm.at[pl.ds(base, _BPW)], uid_v)
        pltpu.sync_copy(iid_hbm.at[pl.ds(base, _BPW)], iid_v)
        gs = []
        for c in range(_NCH):
            s = pl.ds(c * _CH, _CH)
            gs.append(pltpu.async_copy(um_hbm.at[uid_v.at[s]], um_v.at[s], gsem))
            gs.append(pltpu.async_copy(im_hbm.at[iid_v.at[s]], im_v.at[s], gsem))
            gs.append(pltpu.async_copy(ug_hbm.at[uid_v.at[s]], ug_v.at[s], gsem))
            gs.append(pltpu.async_copy(ig_hbm.at[iid_v.at[s]], ig_v.at[s], gsem))
        for g in gs:
            g.wait()
        o = pl.ds(base, _BPW)
        ws = [
            pltpu.async_copy(um_v, o_um.at[o], wsem),
            pltpu.async_copy(im_v, o_im.at[o], wsem),
            pltpu.async_copy(ug_v, o_ug.at[o], wsem),
            pltpu.async_copy(ig_v, o_ig.at[o], wsem),
        ]
        for w in ws:
            w.wait()

    return k(uid, iid, t_um, t_im, t_ug, t_ig)


def _dense_body(ue_ref, ie_ref, ug_ref, ig_ref, w1u_ref, w1i_ref, b1_ref,
                w2_ref, b2_ref, wh_ref, wg_ref, bo_ref, o_ref):
    h1 = jnp.dot(ue_ref[...], w1u_ref[...], preferred_element_type=jnp.float32)
    h1 = h1 + jnp.dot(ie_ref[...], w1i_ref[...], preferred_element_type=jnp.float32)
    h1 = jnp.maximum(h1 + b1_ref[...], 0.0)
    h2 = jnp.dot(h1, w2_ref[...], preferred_element_type=jnp.float32)
    h2 = jnp.maximum(h2 + b2_ref[...], 0.0)
    gmf = ug_ref[...] * ig_ref[...]
    logit = jnp.dot(h2, wh_ref[...], preferred_element_type=jnp.float32)
    logit = logit + jnp.dot(gmf, wg_ref[...], preferred_element_type=jnp.float32)
    o_ref[...] = logit + bo_ref[...]


def _tc_dense(ue, ie, ug, ig, w1u, w1i, b1, w2, b2, wh, wg, bo):
    bb = 2048
    grid = _B // bb
    row_spec = pl.BlockSpec((bb, _D), lambda i: (i, 0))

    def w_spec(shape):
        return pl.BlockSpec(shape, lambda i: (0,) * len(shape))

    return pl.pallas_call(
        _dense_body,
        grid=(grid,),
        in_specs=[
            row_spec, row_spec, row_spec, row_spec,
            w_spec((_D, 32)), w_spec((_D, 32)), w_spec((1, 32)),
            w_spec((32, 16)), w_spec((1, 16)),
            w_spec((16, 1)), w_spec((_D, 1)), w_spec((1, 1)),
        ],
        out_specs=pl.BlockSpec((bb, 1), lambda i: (i, 0)),
        out_shape=jax.ShapeDtypeStruct((_B, 1), jnp.float32),
    )(ue, ie, ug, ig, w1u, w1i, b1, w2, b2, wh, wg, bo)


def kernel(userID, itemID, user_emb_mlp, item_emb_mlp, user_emb_gmf,
           item_emb_gmf, W1, b1, W2, b2, Wout, bout):
    uid = userID.astype(jnp.int32)
    iid = itemID.astype(jnp.int32)
    r_um, r_im = _tc_repack(user_emb_mlp.T, item_emb_mlp.T)
    ue, iem, ug, ig = _sc_gather(uid, iid, r_um, r_im,
                                 user_emb_gmf, item_emb_gmf)
    out = _tc_dense(ue, iem, ug, ig,
                    W1[:_D], W1[_D:], b1.reshape(1, -1),
                    W2, b2.reshape(1, -1),
                    Wout[:16], Wout[16:], bout.reshape(1, 1))
    return out.reshape(-1)

# --- scband reference (transcript-rebuilt; emitter-appended) ---
"""Pipeline reference for scband-neu-mf-20212116095337 (READ-ONLY COPY).

The authoritative reference and input builder live on the scoring server;
editing this copy changes nothing except your own understanding.
"""

import jax, jax.numpy as jnp
import numpy as np

NUM_USERS = 1000000
NUM_ITEMS = 1000000
EMBED_DIM = 32
BATCH = 16384
LAYERS = [64, 32, 16]


def setup_inputs(seed: int = 0) -> dict:
    key = jax.random.key(seed)
    ks = jax.random.split(key, 16)
    userID = jax.random.randint(ks[0], (BATCH,), 0, NUM_USERS, dtype=jnp.int64 if jax.config.jax_enable_x64 else jnp.int32)
    itemID = jax.random.randint(ks[1], (BATCH,), 0, NUM_ITEMS, dtype=jnp.int64 if jax.config.jax_enable_x64 else jnp.int32)
    user_emb_mlp = jax.random.normal(ks[2], (NUM_USERS, EMBED_DIM), dtype=jnp.float32) * 0.01
    item_emb_mlp = jax.random.normal(ks[3], (NUM_ITEMS, EMBED_DIM), dtype=jnp.float32) * 0.01
    user_emb_gmf = jax.random.normal(ks[4], (NUM_USERS, EMBED_DIM), dtype=jnp.float32) * 0.01
    item_emb_gmf = jax.random.normal(ks[5], (NUM_ITEMS, EMBED_DIM), dtype=jnp.float32) * 0.01
    # MLP tower weights (xavier-uniform style init)
    W1 = jax.random.uniform(ks[6], (LAYERS[0], LAYERS[1]), dtype=jnp.float32, minval=-1.0, maxval=1.0) * float(np.sqrt(6.0 / (LAYERS[0] + LAYERS[1])))
    b1 = jnp.zeros((LAYERS[1],), dtype=jnp.float32)
    W2 = jax.random.uniform(ks[7], (LAYERS[1], LAYERS[2]), dtype=jnp.float32, minval=-1.0, maxval=1.0) * float(np.sqrt(6.0 / (LAYERS[1] + LAYERS[2])))
    b2 = jnp.zeros((LAYERS[2],), dtype=jnp.float32)
    out_in = LAYERS[-1] + EMBED_DIM
    Wout = jax.random.uniform(ks[8], (out_in, 1), dtype=jnp.float32, minval=-1.0, maxval=1.0) * float(np.sqrt(3.0 / out_in))
    bout = jnp.zeros((1,), dtype=jnp.float32)
    return {
        "userID": userID, "itemID": itemID,
        "user_emb_mlp": user_emb_mlp, "item_emb_mlp": item_emb_mlp,
        "user_emb_gmf": user_emb_gmf, "item_emb_gmf": item_emb_gmf,
        "W1": W1, "b1": b1, "W2": W2, "b2": b2, "Wout": Wout, "bout": bout,
    }


def reference(userID, itemID, user_emb_mlp, item_emb_mlp, user_emb_gmf, item_emb_gmf, W1, b1, W2, b2, Wout, bout):
    ue_mlp = jnp.take(user_emb_mlp, userID, axis=0)
    ie_mlp = jnp.take(item_emb_mlp, itemID, axis=0)
    ue_gmf = jnp.take(user_emb_gmf, userID, axis=0)
    ie_gmf = jnp.take(item_emb_gmf, itemID, axis=0)
    mlp_out = jnp.concatenate([ue_mlp, ie_mlp], axis=-1)
    gmf_out = ue_gmf * ie_gmf
    mlp_out = jax.nn.relu(mlp_out @ W1 + b1)
    mlp_out = jax.nn.relu(mlp_out @ W2 + b2)
    neumf_out = jnp.concatenate([mlp_out, gmf_out], axis=-1)
    logits = neumf_out @ Wout + bout
    return logits.reshape(-1)

if __name__ == "__main__":
    import jax
    _d = setup_inputs()
    print(jax.jit(kernel)(*tuple(_d.values())))

</pallas_src>

<mosaic_0001>
#map = affine_map<(d0, d1) -> (0)>
#map1 = affine_map<(d0, d1) -> (0, 0)>
module attributes {stable_mosaic.version = 14 : i64} {
  func.func @k(%arg0: i32, %arg1: i32, %arg2: memref<16384xi32, #tpu.memory_space<hbm>>, %arg3: memref<16384xi32, #tpu.memory_space<hbm>>, %arg4: memref<1000000x32xf32, #tpu.memory_space<hbm>>, %arg5: memref<1000000x32xf32, #tpu.memory_space<hbm>>, %arg6: memref<1000000x32xf32, #tpu.memory_space<hbm>>, %arg7: memref<1000000x32xf32, #tpu.memory_space<hbm>>, %arg8: memref<16384x32xf32, #tpu.memory_space<hbm>>, %arg9: memref<16384x32xf32, #tpu.memory_space<hbm>>, %arg10: memref<16384x32xf32, #tpu.memory_space<hbm>>, %arg11: memref<16384x32xf32, #tpu.memory_space<hbm>>, %arg12: memref<512xi32, #tpu.memory_space<vmem>>, %arg13: memref<512xi32, #tpu.memory_space<vmem>>, %arg14: memref<512x32xf32, #tpu.memory_space<vmem>>, %arg15: memref<512x32xf32, #tpu.memory_space<vmem>>, %arg16: memref<512x32xf32, #tpu.memory_space<vmem>>, %arg17: memref<512x32xf32, #tpu.memory_space<vmem>>, %arg18: memref<!tpu.dma_semaphore, #tpu.memory_space<semaphore_mem>>, %arg19: memref<!tpu.dma_semaphore, #tpu.memory_space<semaphore_mem>>) attributes {dimension_semantics = [#tpu.dimension_semantics<core_parallel>, #tpu.dimension_semantics<subcore_parallel>], iteration_bounds = array<i64: 2, 16>, scalar_prefetch = 0 : i64, scratch_operands = 8 : i64, tpu.core_type = #tpu.core_type<sc_vector_subcore>, window_params = [{transform_indices = #map}, {transform_indices = #map}, {transform_indices = #map1}, {transform_indices = #map1}, {transform_indices = #map1}, {transform_indices = #map1}, {transform_indices = #map1}, {transform_indices = #map1}, {transform_indices = #map1}, {transform_indices = #map1}]} {
    %mul3A = arith.constant 2 : i32
    %mul3A_0 = arith.muli %arg1, %mul3A : i32
    %add3A = arith.addi %mul3A_0, %arg0 : i32
    %mul3A_1 = arith.constant 512 : i32
    %mul3A_2 = arith.muli %add3A, %mul3A_1 : i32
    "tpu.region"() ({
      %run_scoped3A = tpu.sem_alloc : memref<!tpu.dma_semaphore, #tpu.memory_space<semaphore_mem>>
      %dma_start3A_289 = tpu.memref_slice %arg2[%mul3A_2] : memref<16384xi32, #tpu.memory_space<hbm>> -> memref<512xi32, #tpu.memory_space<hbm>>
      %dma_start3A_290 = tpu.memref_slice %arg2[%mul3A_2] : memref<16384xi32, #tpu.memory_space<hbm>> -> memref<512xi32, #tpu.memory_space<hbm>>
      tpu.enqueue_dma source(%dma_start3A_290 : memref<512xi32, #tpu.memory_space<hbm>>) target(%arg12 : memref<512xi32, #tpu.memory_space<vmem>>) target_semaphore(%run_scoped3A : memref<!tpu.dma_semaphore, #tpu.memory_space<semaphore_mem>>)
      %dma_wait3A_291 = tpu.memref_slice %arg2[%mul3A_2] : memref<16384xi32, #tpu.memory_space<hbm>> -> memref<512xi32, #tpu.memory_space<hbm>>
      %dma_wait3A_292 = tpu.memref_slice %arg2[%mul3A_2] : memref<16384xi32, #tpu.memory_space<hbm>> -> memref<512xi32, #tpu.memory_space<hbm>>
      tpu.wait_dma2 semaphore(%run_scoped3A : memref<!tpu.dma_semaphore, #tpu.memory_space<semaphore_mem>>) src(%dma_wait3A_292 : memref<512xi32, #tpu.memory_space<hbm>>) dst(%arg12 : memref<512xi32, #tpu.memory_space<vmem>>)
      tpu.yield
    }) : () -> ()
    "tpu.region"() ({
      %run_scoped3A = tpu.sem_alloc : memref<!tpu.dma_semaphore, #tpu.memory_space<semaphore_mem>>
      %dma_start3A_289 = tpu.memref_slice %arg3[%mul3A_2] : memref<16384xi32, #tpu.memory_space<hbm>> -> memref<512xi32, #tpu.memory_space<hbm>>
      %dma_start3A_290 = tpu.memref_slice %arg3[%mul3A_2] : memref<16384xi32, #tpu.memory_space<hbm>> -> memref<512xi32, #tpu.memory_space<hbm>>
      tpu.enqueue_dma source(%dma_start3A_290 : memref<512xi32, #tpu.memory_space<hbm>>) target(%arg13 : memref<512xi32, #tpu.memory_space<vmem>>) target_semaphore(%run_scoped3A : memref<!tpu.dma_semaphore, #tpu.memory_space<semaphore_mem>>)
      %dma_wait3A_291 = tpu.memref_slice %arg3[%mul3A_2] : memref<16384xi32, #tpu.memory_space<hbm>> -> memref<512xi32, #tpu.memory_space<hbm>>
      %dma_wait3A_292 = tpu.memref_slice %arg3[%mul3A_2] : memref<16384xi32, #tpu.memory_space<hbm>> -> memref<512xi32, #tpu.memory_space<hbm>>
      tpu.wait_dma2 semaphore(%run_scoped3A : memref<!tpu.dma_semaphore, #tpu.memory_space<semaphore_mem>>) src(%dma_wait3A_292 : memref<512xi32, #tpu.memory_space<hbm>>) dst(%arg13 : memref<512xi32, #tpu.memory_space<vmem>>)
      tpu.yield
    }) : () -> ()
    %dma_start3A = arith.constant 0 : i32
    %dma_start3A_3 = arith.constant 0 : i32
    %dma_start3A_4 = tpu.memref_slice %arg14[%dma_start3A, %dma_start3A_3] : memref<512x32xf32, #tpu.memory_space<vmem>> -> memref<128x32xf32, #tpu.memory_space<vmem>>
    %dma_start3A_5 = arith.constant 0 : i32
    %dma_start3A_6 = tpu.memref_slice %arg12[%dma_start3A_5] : memref<512xi32, #tpu.memory_space<vmem>> -> memref<128xi32, #tpu.memory_space<vmem>>
    %dma_start3A_7 = arith.constant 0 : i32
    %dma_start3A_8 = arith.constant 0 : i32
    %dma_start3A_9 = tpu.memref_slice %arg4[%dma_start3A_7, %dma_start3A_8] : memref<1000000x32xf32, #tpu.memory_space<hbm>> -> memref<1000000x32xf32, #tpu.memory_space<hbm>>
    tpu.enqueue_indirect_dma source(%dma_start3A_9 : memref<1000000x32xf32, #tpu.memory_space<hbm>>) target(%dma_start3A_4 : memref<128x32xf32, #tpu.memory_space<vmem>>) offsets(%dma_start3A_6 : memref<128xi32, #tpu.memory_space<vmem>>) semaphore(%arg18 : memref<!tpu.dma_semaphore, #tpu.memory_space<semaphore_mem>>)
    %dma_start3A_10 = arith.constant 0 : i32
    %dma_start3A_11 = arith.constant 0 : i32
    %dma_start3A_12 = tpu.memref_slice %arg15[%dma_start3A_10, %dma_start3A_11] : memref<512x32xf32, #tpu.memory_space<vmem>> -> memref<128x32xf32, #tpu.memory_space<vmem>>
    %dma_start3A_13 = arith.constant 0 : i32
    %dma_start3A_14 = tpu.memref_slice %arg13[%dma_start3A_13] : memref<512xi32, #tpu.memory_space<vmem>> -> memref<128xi32, #tpu.memory_space<vmem>>
    %dma_start3A_15 = arith.constant 0 : i32
    %dma_start3A_16 = arith.constant 0 : i32
    %dma_start3A_17 = tpu.memref_slice %arg5[%dma_start3A_15, %dma_start3A_16] : memref<1000000x32xf32, #tpu.memory_space<hbm>> -> memref<1000000x32xf32, #tpu.memory_space<hbm>>
    tpu.enqueue_indirect_dma source(%dma_start3A_17 : memref<1000000x32xf32, #tpu.memory_space<hbm>>) target(%dma_start3A_12 : memref<128x32xf32, #tpu.memory_space<vmem>>) offsets(%dma_start3A_14 : memref<128xi32, #tpu.memory_space<vmem>>) semaphore(%arg18 : memref<!tpu.dma_semaphore, #tpu.memory_space<semaphore_mem>>)
    %dma_start3A_18 = arith.constant 0 : i32
    %dma_start3A_19 = arith.constant 0 : i32
    %dma_start3A_20 = tpu.memref_slice %arg16[%dma_start3A_18, %dma_start3A_19] : memref<512x32xf32, #tpu.memory_space<vmem>> -> memref<128x32xf32, #tpu.memory_space<vmem>>
    %dma_start3A_21 = arith.constant 0 : i32
    %dma_start3A_22 = tpu.memref_slice %arg12[%dma_start3A_21] : memref<512xi32, #tpu.memory_space<vmem>> -> memref<128xi32, #tpu.memory_space<vmem>>
    %dma_start3A_23 = arith.constant 0 : i32
    %dma_start3A_24 = arith.constant 0 : i32
    %dma_start3A_25 = tpu.memref_slice %arg6[%dma_start3A_23, %dma_start3A_24] : memref<1000000x32xf32, #tpu.memory_space<hbm>> -> memref<1000000x32xf32, #tpu.memory_space<hbm>>
    tpu.enqueue_indirect_dma source(%dma_start3A_25 : memref<1000000x32xf32, #tpu.memory_space<hbm>>) target(%dma_start3A_20 : memref<128x32xf32, #tpu.memory_space<vmem>>) offsets(%dma_start3A_22 : memref<128xi32, #tpu.memory_space<vmem>>) semaphore(%arg18 : memref<!tpu.dma_semaphore, #tpu.memory_space<semaphore_mem>>)
    %dma_start3A_26 = arith.constant 0 : i32
    %dma_start3A_27 = arith.constant 0 : i32
    %dma_start3A_28 = tpu.memref_slice %arg17[%dma_start3A_26, %dma_start3A_27] : memref<512x32xf32, #tpu.memory_space<vmem>> -> memref<128x32xf32, #tpu.memory_space<vmem>>
    %dma_start3A_29 = arith.constant 0 : i32
    %dma_start3A_30 = tpu.memref_slice %arg13[%dma_start3A_29] : memref<512xi32, #tpu.memory_space<vmem>> -> memref<128xi32, #tpu.memory_space<vmem>>
    %dma_start3A_31 = arith.constant 0 : i32
    %dma_start3A_32 = arith.constant 0 : i32
    %dma_start3A_33 = tpu.memref_slice %arg7[%dma_start3A_31, %dma_start3A_32] : memref<1000000x32xf32, #tpu.memory_space<hbm>> -> memref<1000000x32xf32, #tpu.memory_space<hbm>>
    tpu.enqueue_indirect_dma source(%dma_start3A_33 : memref<1000000x32xf32, #tpu.memory_space<hbm>>) target(%dma_start3A_28 : memref<128x32xf32, #tpu.memory_space<vmem>>) offsets(%dma_start3A_30 : memref<128xi32, #tpu.memory_space<vmem>>) semaphore(%arg18 : memref<!tpu.dma_semaphore, #tpu.memory_space<semaphore_mem>>)
    %dma_start3A_34 = arith.constant 128 : i32
    %dma_start3A_35 = arith.constant 0 : i32
    %dma_start3A_36 = tpu.memref_slice %arg14[%dma_start3A_34, %dma_start3A_35] : memref<512x32xf32, #tpu.memory_space<vmem>> -> memref<128x32xf32, #tpu.memory_space<vmem>>
    %dma_start3A_37 = arith.constant 128 : i32
    %dma_start3A_38 = tpu.memref_slice %arg12[%dma_start3A_37] : memref<512xi32, #tpu.memory_space<vmem>> -> memref<128xi32, #tpu.memory_space<vmem>>
    %dma_start3A_39 = arith.constant 0 : i32
    %dma_start3A_40 = arith.constant 0 : i32
    %dma_start3A_41 = tpu.memref_slice %arg4[%dma_start3A_39, %dma_start3A_40] : memref<1000000x32xf32, #tpu.memory_space<hbm>> -> memref<1000000x32xf32, #tpu.memory_space<hbm>>
    tpu.enqueue_indirect_dma source(%dma_start3A_41 : memref<1000000x32xf32, #tpu.memory_space<hbm>>) target(%dma_start3A_36 : memref<128x32xf32, #tpu.memory_space<vmem>>) offsets(%dma_start3A_38 : memref<128xi32, #tpu.memory_space<vmem>>) semaphore(%arg18 : memref<!tpu.dma_semaphore, #tpu.memory_space<semaphore_mem>>)
    %dma_start3A_42 = arith.constant 128 : i32
    %dma_start3A_43 = arith.constant 0 : i32
    %dma_start3A_44 = tpu.memref_slice %arg15[%dma_start3A_42, %dma_start3A_43] : memref<512x32xf32, #tpu.memory_space<vmem>> -> memref<128x32xf32, #tpu.memory_space<vmem>>
    %dma_start3A_45 = arith.constant 128 : i32
    %dma_start3A_46 = tpu.memref_slice %arg13[%dma_start3A_45] : memref<512xi32, #tpu.memory_space<vmem>> -> memref<128xi32, #tpu.memory_space<vmem>>
    %dma_start3A_47 = arith.constant 0 : i32
    %dma_start3A_48 = arith.constant 0 : i32
    %dma_start3A_49 = tpu.memref_slice %arg5[%dma_start3A_47, %dma_start3A_48] : memref<1000000x32xf32, #tpu.memory_space<hbm>> -> memref<1000000x32xf32, #tpu.memory_space<hbm>>
    tpu.enqueue_indirect_dma source(%dma_start3A_49 : memref<1000000x32xf32, #tpu.memory_space<hbm>>) target(%dma_start3A_44 : memref<128x32xf32, #tpu.memory_space<vmem>>) offsets(%dma_start3A_46 : memref<128xi32, #tpu.memory_space<vmem>>) semaphore(%arg18 : memref<!tpu.dma_semaphore, #tpu.memory_space<semaphore_mem>>)
    %dma_start3A_50 = arith.constant 128 : i32
    %dma_start3A_51 = arith.constant 0 : i32
    %dma_start3A_52 = tpu.memref_slice %arg16[%dma_start3A_50, %dma_start3A_51] : memref<512x32xf32, #tpu.memory_space<vmem>> -> memref<128x32xf32, #tpu.memory_space<vmem>>
    %dma_start3A_53 = arith.constant 128 : i32
    %dma_start3A_54 = tpu.memref_slice %arg12[%dma_start3A_53] : memref<512xi32, #tpu.memory_space<vmem>> -> memref<128xi32, #tpu.memory_space<vmem>>
    %dma_start3A_55 = arith.constant 0 : i32
    %dma_start3A_56 = arith.constant 0 : i32
    %dma_start3A_57 = tpu.memref_slice %arg6[%dma_start3A_55, %dma_start3A_56] : memref<1000000x32xf32, #tpu.memory_space<hbm>> -> memref<1000000x32xf32, #tpu.memory_space<hbm>>
    tpu.enqueue_indirect_dma source(%dma_start3A_57 : memref<1000000x32xf32, #tpu.memory_space<hbm>>) target(%dma_start3A_52 : memref<128x32xf32, #tpu.memory_space<vmem>>) offsets(%dma_start3A_54 : memref<128xi32, #tpu.memory_space<vmem>>) semaphore(%arg18 : memref<!tpu.dma_semaphore, #tpu.memory_space<semaphore_mem>>)
    %dma_start3A_58 = arith.constant 128 : i32
    %dma_start3A_59 = arith.constant 0 : i32
    %dma_start3A_60 = tpu.memref_slice %arg17[%dma_start3A_58, %dma_start3A_59] : memref<512x32xf32, #tpu.memory_space<vmem>> -> memref<128x32xf32, #tpu.memory_space<vmem>>
    %dma_start3A_61 = arith.constant 128 : i32
    %dma_start3A_62 = tpu.memref_slice %arg13[%dma_start3A_61] : memref<512xi32, #tpu.memory_space<vmem>> -> memref<128xi32, #tpu.memory_space<vmem>>
    %dma_start3A_63 = arith.constant 0 : i32
    %dma_start3A_64 = arith.constant 0 : i32
    %dma_start3A_65 = tpu.memref_slice %arg7[%dma_start3A_63, %dma_start3A_64] : memref<1000000x32xf32, #tpu.memory_space<hbm>> -> memref<1000000x32xf32, #tpu.memory_space<hbm>>
    tpu.enqueue_indirect_dma source(%dma_start3A_65 : memref<1000000x32xf32, #tpu.memory_space<hbm>>) target(%dma_start3A_60 : memref<128x32xf32, #tpu.memory_space<vmem>>) offsets(%dma_start3A_62 : memref<128xi32, #tpu.memory_space<vmem>>) semaphore(%arg18 : memref<!tpu.dma_semaphore, #tpu.memory_space<semaphore_mem>>)
    %dma_start3A_66 = arith.constant 256 : i32
    %dma_start3A_67 = arith.constant 0 : i32
    %dma_start3A_68 = tpu.memref_slice %arg14[%dma_start3A_66, %dma_start3A_67] : memref<512x32xf32, #tpu.memory_space<vmem>> -> memref<128x32xf32, #tpu.memory_space<vmem>>
    %dma_start3A_69 = arith.constant 256 : i32
    %dma_start3A_70 = tpu.memref_slice %arg12[%dma_start3A_69] : memref<512xi32, #tpu.memory_space<vmem>> -> memref<128xi32, #tpu.memory_space<vmem>>
    %dma_start3A_71 = arith.constant 0 : i32
    %dma_start3A_72 = arith.constant 0 : i32
    %dma_start3A_73 = tpu.memref_slice %arg4[%dma_start3A_71, %dma_start3A_72] : memref<1000000x32xf32, #tpu.memory_space<hbm>> -> memref<1000000x32xf32, #tpu.memory_space<hbm>>
    tpu.enqueue_indirect_dma source(%dma_start3A_73 : memref<1000000x32xf32, #tpu.memory_space<hbm>>) target(%dma_start3A_68 : memref<128x32xf32, #tpu.memory_space<vmem>>) offsets(%dma_start3A_70 : memref<128xi32, #tpu.memory_space<vmem>>) semaphore(%arg18 : memref<!tpu.dma_semaphore, #tpu.memory_space<semaphore_mem>>)
    %dma_start3A_74 = arith.constant 256 : i32
    %dma_start3A_75 = arith.constant 0 : i32
    %dma_start3A_76 = tpu.memref_slice %arg15[%dma_start3A_74, %dma_start3A_75] : memref<512x32xf32, #tpu.memory_space<vmem>> -> memref<128x32xf32, #tpu.memory_space<vmem>>
    %dma_start3A_77 = arith.constant 256 : i32
    %dma_start3A_78 = tpu.memref_slice %arg13[%dma_start3A_77] : memref<512xi32, #tpu.memory_space<vmem>> -> memref<128xi32, #tpu.memory_space<vmem>>
    %dma_start3A_79 = arith.constant 0 : i32
    %dma_start3A_80 = arith.constant 0 : i32
    %dma_start3A_81 = tpu.memref_slice %arg5[%dma_start3A_79, %dma_start3A_80] : memref<1000000x32xf32, #tpu.memory_space<hbm>> -> memref<1000000x32xf32, #tpu.memory_space<hbm>>
    tpu.enqueue_indirect_dma source(%dma_start3A_81 : memref<1000000x32xf32, #tpu.memory_space<hbm>>) target(%dma_start3A_76 : memref<128x32xf32, #tpu.memory_space<vmem>>) offsets(%dma_start3A_78 : memref<128xi32, #tpu.memory_space<vmem>>) semaphore(%arg18 : memref<!tpu.dma_semaphore, #tpu.memory_space<semaphore_mem>>)
    %dma_start3A_82 = arith.constant 256 : i32
    %dma_start3A_83 = arith.constant 0 : i32
    %dma_start3A_84 = tpu.memref_slice %arg16[%dma_start3A_82, %dma_start3A_83] : memref<512x32xf32, #tpu.memory_space<vmem>> -> memref<128x32xf32, #tpu.memory_space<vmem>>
    %dma_start3A_85 = arith.constant 256 : i32
    %dma_start3A_86 = tpu.memref_slice %arg12[%dma_start3A_85] : memref<512xi32, #tpu.memory_space<vmem>> -> memref<128xi32, #tpu.memory_space<vmem>>
    %dma_start3A_87 = arith.constant 0 : i32
    %dma_start3A_88 = arith.constant 0 : i32
    %dma_start3A_89 = tpu.memref_slice %arg6[%dma_start3A_87, %dma_start3A_88] : memref<1000000x32xf32, #tpu.memory_space<hbm>> -> memref<1000000x32xf32, #tpu.memory_space<hbm>>
    tpu.enqueue_indirect_dma source(%dma_start3A_89 : memref<1000000x32xf32, #tpu.memory_space<hbm>>) target(%dma_start3A_84 : memref<128x32xf32, #tpu.memory_space<vmem>>) offsets(%dma_start3A_86 : memref<128xi32, #tpu.memory_space<vmem>>) semaphore(%arg18 : memref<!tpu.dma_semaphore, #tpu.memory_space<semaphore_mem>>)
    %dma_start3A_90 = arith.constant 256 : i32
    %dma_start3A_91 = arith.constant 0 : i32
    %dma_start3A_92 = tpu.memref_slice %arg17[%dma_start3A_90, %dma_start3A_91] : memref<512x32xf32, #tpu.memory_space<vmem>> -> memref<128x32xf32, #tpu.memory_space<vmem>>
    %dma_start3A_93 = arith.constant 256 : i32
    %dma_start3A_94 = tpu.memref_slice %arg13[%dma_start3A_93] : memref<512xi32, #tpu.memory_space<vmem>> -> memref<128xi32, #tpu.memory_space<vmem>>
    %dma_start3A_95 = arith.constant 0 : i32
    %dma_start3A_96 = arith.constant 0 : i32
    %dma_start3A_97 = tpu.memref_slice %arg7[%dma_start3A_95, %dma_start3A_96] : memref<1000000x32xf32, #tpu.memory_space<hbm>> -> memref<1000000x32xf32, #tpu.memory_space<hbm>>
    tpu.enqueue_indirect_dma source(%dma_start3A_97 : memref<1000000x32xf32, #tpu.memory_space<hbm>>) target(%dma_start3A_92 : memref<128x32xf32, #tpu.memory_space<vmem>>) offsets(%dma_start3A_94 : memref<128xi32, #tpu.memory_space<vmem>>) semaphore(%arg18 : memref<!tpu.dma_semaphore, #tpu.memory_space<semaphore_mem>>)
    %dma_start3A_98 = arith.constant 384 : i32
    %dma_start3A_99 = arith.constant 0 : i32
    %dma_start3A_100 = tpu.memref_slice %arg14[%dma_start3A_98, %dma_start3A_99] : memref<512x32xf32, #tpu.memory_space<vmem>> -> memref<128x32xf32, #tpu.memory_space<vmem>>
    %dma_start3A_101 = arith.constant 384 : i32
    %dma_start3A_102 = tpu.memref_slice %arg12[%dma_start3A_101] : memref<512xi32, #tpu.memory_space<vmem>> -> memref<128xi32, #tpu.memory_space<vmem>>
    %dma_start3A_103 = arith.constant 0 : i32
    %dma_start3A_104 = arith.constant 0 : i32
    %dma_start3A_105 = tpu.memref_slice %arg4[%dma_start3A_103, %dma_start3A_104] : memref<1000000x32xf32, #tpu.memory_space<hbm>> -> memref<1000000x32xf32, #tpu.memory_space<hbm>>
    tpu.enqueue_indirect_dma source(%dma_start3A_105 : memref<1000000x32xf32, #tpu.memory_space<hbm>>) target(%dma_start3A_100 : memref<128x32xf32, #tpu.memory_space<vmem>>) offsets(%dma_start3A_102 : memref<128xi32, #tpu.memory_space<vmem>>) semaphore(%arg18 : memref<!tpu.dma_semaphore, #tpu.memory_space<semaphore_mem>>)
    %dma_start3A_106 = arith.constant 384 : i32
    %dma_start3A_107 = arith.constant 0 : i32
    %dma_start3A_108 = tpu.memref_slice %arg15[%dma_start3A_106, %dma_start3A_107] : memref<512x32xf32, #tpu.memory_space<vmem>> -> memref<128x32xf32, #tpu.memory_space<vmem>>
    %dma_start3A_109 = arith.constant 384 : i32
    %dma_start3A_110 = tpu.memref_slice %arg13[%dma_start3A_109] : memref<512xi32, #tpu.memory_space<vmem>> -> memref<128xi32, #tpu.memory_space<vmem>>
    %dma_start3A_111 = arith.constant 0 : i32
    %dma_start3A_112 = arith.constant 0 : i32
    %dma_start3A_113 = tpu.memref_slice %arg5[%dma_start3A_111, %dma_start3A_112] : memref<1000000x32xf32, #tpu.memory_space<hbm>> -> memref<1000000x32xf32, #tpu.memory_space<hbm>>
    tpu.enqueue_indirect_dma source(%dma_start3A_113 : memref<1000000x32xf32, #tpu.memory_space<hbm>>) target(%dma_start3A_108 : memref<128x32xf32, #tpu.memory_space<vmem>>) offsets(%dma_start3A_110 : memref<128xi32, #tpu.memory_space<vmem>>) semaphore(%arg18 : memref<!tpu.dma_semaphore, #tpu.memory_space<semaphore_mem>>)
    %dma_start3A_114 = arith.constant 384 : i32
    %dma_start3A_115 = arith.constant 0 : i32
    %dma_start3A_116 = tpu.memref_slice %arg16[%dma_start3A_114, %dma_start3A_115] : memref<512x32xf32, #tpu.memory_space<vmem>> -> memref<128x32xf32, #tpu.memory_space<vmem>>
    %dma_start3A_117 = arith.constant 384 : i32
    %dma_start3A_118 = tpu.memref_slice %arg12[%dma_start3A_117] : memref<512xi32, #tpu.memory_space<vmem>> -> memref<128xi32, #tpu.memory_space<vmem>>
    %dma_start3A_119 = arith.constant 0 : i32
    %dma_start3A_120 = arith.constant 0 : i32
    %dma_start3A_121 = tpu.memref_slice %arg6[%dma_start3A_119, %dma_start3A_120] : memref<1000000x32xf32, #tpu.memory_space<hbm>> -> memref<1000000x32xf32, #tpu.memory_space<hbm>>
    tpu.enqueue_indirect_dma source(%dma_start3A_121 : memref<1000000x32xf32, #tpu.memory_space<hbm>>) target(%dma_start3A_116 : memref<128x32xf32, #tpu.memory_space<vmem>>) offsets(%dma_start3A_118 : memref<128xi32, #tpu.memory_space<vmem>>) semaphore(%arg18 : memref<!tpu.dma_semaphore, #tpu.memory_space<semaphore_mem>>)
    %dma_start3A_122 = arith.constant 384 : i32
    %dma_start3A_123 = arith.constant 0 : i32
    %dma_start3A_124 = tpu.memref_slice %arg17[%dma_start3A_122, %dma_start3A_123] : memref<512x32xf32, #tpu.memory_space<vmem>> -> memref<128x32xf32, #tpu.memory_space<vmem>>
    %dma_start3A_125 = arith.constant 384 : i32
    %dma_start3A_126 = tpu.memref_slice %arg13[%dma_start3A_125] : memref<512xi32, #tpu.memory_space<vmem>> -> memref<128xi32, #tpu.memory_space<vmem>>
    %dma_start3A_127 = arith.constant 0 : i32
    %dma_start3A_128 = arith.constant 0 : i32
    %dma_start3A_129 = tpu.memref_slice %arg7[%dma_start3A_127, %dma_start3A_128] : memref<1000000x32xf32, #tpu.memory_space<hbm>> -> memref<1000000x32xf32, #tpu.memory_space<hbm>>
    tpu.enqueue_indirect_dma source(%dma_start3A_129 : memref<1000000x32xf32, #tpu.memory_space<hbm>>) target(%dma_start3A_124 : memref<128x32xf32, #tpu.memory_space<vmem>>) offsets(%dma_start3A_126 : memref<128xi32, #tpu.memory_space<vmem>>) semaphore(%arg18 : memref<!tpu.dma_semaphore, #tpu.memory_space<semaphore_mem>>)
    %dma_wait3A = arith.constant 0 : i32
    %dma_wait3A_130 = arith.constant 0 : i32
    %dma_wait3A_131 = tpu.memref_slice %arg14[%dma_wait3A, %dma_wait3A_130] : memref<512x32xf32, #tpu.memory_space<vmem>> -> memref<128x32xf32, #tpu.memory_space<vmem>>
    %dma_wait3A_132 = arith.constant 0 : i32
    %dma_wait3A_133 = tpu.memref_slice %arg12[%dma_wait3A_132] : memref<512xi32, #tpu.memory_space<vmem>> -> memref<128xi32, #tpu.memory_space<vmem>>
    %dma_wait3A_134 = arith.constant 0 : i32
    %dma_wait3A_135 = arith.constant 0 : i32
    %dma_wait3A_136 = tpu.memref_slice %arg4[%dma_wait3A_134, %dma_wait3A_135] : memref<1000000x32xf32, #tpu.memory_space<hbm>> -> memref<1000000x32xf32, #tpu.memory_space<hbm>>
    tpu.wait_indirect_dma semaphore(%arg18 : memref<!tpu.dma_semaphore, #tpu.memory_space<semaphore_mem>>) src(%dma_wait3A_136 : memref<1000000x32xf32, #tpu.memory_space<hbm>>) dst(%dma_wait3A_131 : memref<128x32xf32, #tpu.memory_space<vmem>>)
    %dma_wait3A_137 = arith.constant 0 : i32
    %dma_wait3A_138 = arith.constant 0 : i32
    %dma_wait3A_139 = tpu.memref_slice %arg15[%dma_wait3A_137, %dma_wait3A_138] : memref<512x32xf32, #tpu.memory_space<vmem>> -> memref<128x32xf32, #tpu.memory_space<vmem>>
    %dma_wait3A_140 = arith.constant 0 : i32
    %dma_wait3A_141 = tpu.memref_slice %arg13[%dma_wait3A_140] : memref<512xi32, #tpu.memory_space<vmem>> -> memref<128xi32, #tpu.memory_space<vmem>>
    %dma_wait3A_142 = arith.constant 0 : i32
    %dma_wait3A_143 = arith.constant 0 : i32
    %dma_wait3A_144 = tpu.memref_slice %arg5[%dma_wait3A_142, %dma_wait3A_143] : memref<1000000x32xf32, #tpu.memory_space<hbm>> -> memref<1000000x32xf32, #tpu.memory_space<hbm>>
    tpu.wait_indirect_dma semaphore(%arg18 : memref<!tpu.dma_semaphore, #tpu.memory_space<semaphore_mem>>) src(%dma_wait3A_144 : memref<1000000x32xf32, #tpu.memory_space<hbm>>) dst(%dma_wait3A_139 : memref<128x32xf32, #tpu.memory_space<vmem>>)
    %dma_wait3A_145 = arith.constant 0 : i32
    %dma_wait3A_146 = arith.constant 0 : i32
    %dma_wait3A_147 = tpu.memref_slice %arg16[%dma_wait3A_145, %dma_wait3A_146] : memref<512x32xf32, #tpu.memory_space<vmem>> -> memref<128x32xf32, #tpu.memory_space<vmem>>
    %dma_wait3A_148 = arith.constant 0 : i32
    %dma_wait3A_149 = tpu.memref_slice %arg12[%dma_wait3A_148] : memref<512xi32, #tpu.memory_space<vmem>> -> memref<128xi32, #tpu.memory_space<vmem>>
    %dma_wait3A_150 = arith.constant 0 : i32
    %dma_wait3A_151 = arith.constant 0 : i32
    %dma_wait3A_152 = tpu.memref_slice %arg6[%dma_wait3A_150, %dma_wait3A_151] : memref<1000000x32xf32, #tpu.memory_space<hbm>> -> memref<1000000x32xf32, #tpu.memory_space<hbm>>
    tpu.wait_indirect_dma semaphore(%arg18 : memref<!tpu.dma_semaphore, #tpu.memory_space<semaphore_mem>>) src(%dma_wait3A_152 : memref<1000000x32xf32, #tpu.memory_space<hbm>>) dst(%dma_wait3A_147 : memref<128x32xf32, #tpu.memory_space<vmem>>)
    %dma_wait3A_153 = arith.constant 0 : i32
    %dma_wait3A_154 = arith.constant 0 : i32
    %dma_wait3A_155 = tpu.memref_slice %arg17[%dma_wait3A_153, %dma_wait3A_154] : memref<512x32xf32, #tpu.memory_space<vmem>> -> memref<128x32xf32, #tpu.memory_space<vmem>>
    %dma_wait3A_156 = arith.constant 0 : i32
    %dma_wait3A_157 = tpu.memref_slice %arg13[%dma_wait3A_156] : memref<512xi32, #tpu.memory_space<vmem>> -> memref<128xi32, #tpu.memory_space<vmem>>
    %dma_wait3A_158 = arith.constant 0 : i32
    %dma_wait3A_159 = arith.constant 0 : i32
    %dma_wait3A_160 = tpu.memref_slice %arg7[%dma_wait3A_158, %dma_wait3A_159] : memref<1000000x32xf32, #tpu.memory_space<hbm>> -> memref<1000000x32xf32, #tpu.memory_space<hbm>>
    tpu.wait_indirect_dma semaphore(%arg18 : memref<!tpu.dma_semaphore, #tpu.memory_space<semaphore_mem>>) src(%dma_wait3A_160 : memref<1000000x32xf32, #tpu.memory_space<hbm>>) dst(%dma_wait3A_155 : memref<128x32xf32, #tpu.memory_space<vmem>>)
    %dma_wait3A_161 = arith.constant 128 : i32
    %dma_wait3A_162 = arith.constant 0 : i32
    %dma_wait3A_163 = tpu.memref_slice %arg14[%dma_wait3A_161, %dma_wait3A_162] : memref<512x32xf32, #tpu.memory_space<vmem>> -> memref<128x32xf32, #tpu.memory_space<vmem>>
    %dma_wait3A_164 = arith.constant 128 : i32
    %dma_wait3A_165 = tpu.memref_slice %arg12[%dma_wait3A_164] : memref<512xi32, #tpu.memory_space<vmem>> -> memref<128xi32, #tpu.memory_space<vmem>>
    %dma_wait3A_166 = arith.constant 0 : i32
    %dma_wait3A_167 = arith.constant 0 : i32
    %dma_wait3A_168 = tpu.memref_slice %arg4[%dma_wait3A_166, %dma_wait3A_167] : memref<1000000x32xf32, #tpu.memory_space<hbm>> -> memref<1000000x32xf32, #tpu.memory_space<hbm>>
    tpu.wait_indirect_dma semaphore(%arg18 : memref<!tpu.dma_semaphore, #tpu.memory_space<semaphore_mem>>) src(%dma_wait3A_168 : memref<1000000x32xf32, #tpu.memory_space<hbm>>) dst(%dma_wait3A_163 : memref<128x32xf32, #tpu.memory_space<vmem>>)
    %dma_wait3A_169 = arith.constant 128 : i32
    %dma_wait3A_170 = arith.constant 0 : i32
    %dma_wait3A_171 = tpu.memref_slice %arg15[%dma_wait3A_169, %dma_wait3A_170] : memref<512x32xf32, #tpu.memory_space<vmem>> -> memref<128x32xf32, #tpu.memory_space<vmem>>
    %dma_wait3A_172 = arith.constant 128 : i32
    %dma_wait3A_173 = tpu.memref_slice %arg13[%dma_wait3A_172] : memref<512xi32, #tpu.memory_space<vmem>> -> memref<128xi32, #tpu.memory_space<vmem>>
    %dma_wait3A_174 = arith.constant 0 : i32
    %dma_wait3A_175 = arith.constant 0 : i32
    %dma_wait3A_176 = tpu.memref_slice %arg5[%dma_wait3A_174, %dma_wait3A_175] : memref<1000000x32xf32, #tpu.memory_space<hbm>> -> memref<1000000x32xf32, #tpu.memory_space<hbm>>
    tpu.wait_indirect_dma semaphore(%arg18 : memref<!tpu.dma_semaphore, #tpu.memory_space<semaphore_mem>>) src(%dma_wait3A_176 : memref<1000000x32xf32, #tpu.memory_space<hbm>>) dst(%dma_wait3A_171 : memref<128x32xf32, #tpu.memory_space<vmem>>)
    %dma_wait3A_177 = arith.constant 128 : i32
    %dma_wait3A_178 = arith.constant 0 : i32
    %dma_wait3A_179 = tpu.memref_slice %arg16[%dma_wait3A_177, %dma_wait3A_178] : memref<512x32xf32, #tpu.memory_space<vmem>> -> memref<128x32xf32, #tpu.memory_space<vmem>>
    %dma_wait3A_180 = arith.constant 128 : i32
    %dma_wait3A_181 = tpu.memref_slice %arg12[%dma_wait3A_180] : memref<512xi32, #tpu.memory_space<vmem>> -> memref<128xi32, #tpu.memory_space<vmem>>
    %dma_wait3A_182 = arith.constant 0 : i32
    %dma_wait3A_183 = arith.constant 0 : i32
    %dma_wait3A_184 = tpu.memref_slice %arg6[%dma_wait3A_182, %dma_wait3A_183] : memref<1000000x32xf32, #tpu.memory_space<hbm>> -> memref<1000000x32xf32, #tpu.memory_space<hbm>>
    tpu.wait_indirect_dma semaphore(%arg18 : memref<!tpu.dma_semaphore, #tpu.memory_space<semaphore_mem>>) src(%dma_wait3A_184 : memref<1000000x32xf32, #tpu.memory_space<hbm>>) dst(%dma_wait3A_179 : memref<128x32xf32, #tpu.memory_space<vmem>>)
    %dma_wait3A_185 = arith.constant 128 : i32
    %dma_wait3A_186 = arith.constant 0 : i32
    %dma_wait3A_187 = tpu.memref_slice %arg17[%dma_wait3A_185, %dma_wait3A_186] : memref<512x32xf32, #tpu.memory_space<vmem>> -> memref<128x32xf32, #tpu.memory_space<vmem>>
    %dma_wait3A_188 = arith.constant 128 : i32
    %dma_wait3A_189 = tpu.memref_slice %arg13[%dma_wait3A_188] : memref<512xi32, #tpu.memory_space<vmem>> -> memref<128xi32, #tpu.memory_space<vmem>>
    %dma_wait3A_190 = arith.constant 0 : i32
    %dma_wait3A_191 = arith.constant 0 : i32
    %dma_wait3A_192 = tpu.memref_slice %arg7[%dma_wait3A_190, %dma_wait3A_191] : memref<1000000x32xf32, #tpu.memory_space<hbm>> -> memref<1000000x32xf32, #tpu.memory_space<hbm>>
    tpu.wait_indirect_dma semaphore(%arg18 : memref<!tpu.dma_semaphore, #tpu.memory_space<semaphore_mem>>) src(%dma_wait3A_192 : memref<1000000x32xf32, #tpu.memory_space<hbm>>) dst(%dma_wait3A_187 : memref<128x32xf32, #tpu.memory_space<vmem>>)
    %dma_wait3A_193 = arith.constant 256 : i32
    %dma_wait3A_194 = arith.constant 0 : i32
    %dma_wait3A_195 = tpu.memref_slice %arg14[%dma_wait3A_193, %dma_wait3A_194] : memref<512x32xf32, #tpu.memory_space<vmem>> -> memref<128x32xf32, #tpu.memory_space<vmem>>
    %dma_wait3A_196 = arith.constant 256 : i32
    %dma_wait3A_197 = tpu.memref_slice %arg12[%dma_wait3A_196] : memref<512xi32, #tpu.memory_space<vmem>> -> memref<128xi32, #tpu.memory_space<vmem>>
    %dma_wait3A_198 = arith.constant 0 : i32
    %dma_wait3A_199 = arith.constant 0 : i32
    %dma_wait3A_200 = tpu.memref_slice %arg4[%dma_wait3A_198, %dma_wait3A_199] : memref<1000000x32xf32, #tpu.memory_space<hbm>> -> memref<1000000x32xf32, #tpu.memory_space<hbm>>
    tpu.wait_indirect_dma semaphore(%arg18 : memref<!tpu.dma_semaphore, #tpu.memory_space<semaphore_mem>>) src(%dma_wait3A_200 : memref<1000000x32xf32, #tpu.memory_space<hbm>>) dst(%dma_wait3A_195 : memref<128x32xf32, #tpu.memory_space<vmem>>)
    %dma_wait3A_201 = arith.constant 256 : i32
    %dma_wait3A_202 = arith.constant 0 : i32
    %dma_wait3A_203 = tpu.memref_slice %arg15[%dma_wait3A_201, %dma_wait3A_202] : memref<512x32xf32, #tpu.memory_space<vmem>> -> memref<128x32xf32, #tpu.memory_space<vmem>>
    %dma_wait3A_204 = arith.constant 256 : i32
    %dma_wait3A_205 = tpu.memref_slice %arg13[%dma_wait3A_204] : memref<512xi32, #tpu.memory_space<vmem>> -> memref<128xi32, #tpu.memory_space<vmem>>
    %dma_wait3A_206 = arith.constant 0 : i32
    %dma_wait3A_207 = arith.constant 0 : i32
    %dma_wait3A_208 = tpu.memref_slice %arg5[%dma_wait3A_206, %dma_wait3A_207] : memref<1000000x32xf32, #tpu.memory_space<hbm>> -> memref<1000000x32xf32, #tpu.memory_space<hbm>>
    tpu.wait_indirect_dma semaphore(%arg18 : memref<!tpu.dma_semaphore, #tpu.memory_space<semaphore_mem>>) src(%dma_wait3A_208 : memref<1000000x32xf32, #tpu.memory_space<hbm>>) dst(%dma_wait3A_203 : memref<128x32xf32, #tpu.memory_space<vmem>>)
    %dma_wait3A_209 = arith.constant 256 : i32
    %dma_wait3A_210 = arith.constant 0 : i32
    %dma_wait3A_211 = tpu.memref_slice %arg16[%dma_wait3A_209, %dma_wait3A_210] : memref<512x32xf32, #tpu.memory_space<vmem>> -> memref<128x32xf32, #tpu.memory_space<vmem>>
    %dma_wait3A_212 = arith.constant 256 : i32
    %dma_wait3A_213 = tpu.memref_slice %arg12[%dma_wait3A_212] : memref<512xi32, #tpu.memory_space<vmem>> -> memref<128xi32, #tpu.memory_space<vmem>>
    %dma_wait3A_214 = arith.constant 0 : i32
    %dma_wait3A_215 = arith.constant 0 : i32
    %dma_wait3A_216 = tpu.memref_slice %arg6[%dma_wait3A_214, %dma_wait3A_215] : memref<1000000x32xf32, #tpu.memory_space<hbm>> -> memref<1000000x32xf32, #tpu.memory_space<hbm>>
    tpu.wait_indirect_dma semaphore(%arg18 : memref<!tpu.dma_semaphore, #tpu.memory_space<semaphore_mem>>) src(%dma_wait3A_216 : memref<1000000x32xf32, #tpu.memory_space<hbm>>) dst(%dma_wait3A_211 : memref<128x32xf32, #tpu.memory_space<vmem>>)
    %dma_wait3A_217 = arith.constant 256 : i32
    %dma_wait3A_218 = arith.constant 0 : i32
    %dma_wait3A_219 = tpu.memref_slice %arg17[%dma_wait3A_217, %dma_wait3A_218] : memref<512x32xf32, #tpu.memory_space<vmem>> -> memref<128x32xf32, #tpu.memory_space<vmem>>
    %dma_wait3A_220 = arith.constant 256 : i32
    %dma_wait3A_221 = tpu.memref_slice %arg13[%dma_wait3A_220] : memref<512xi32, #tpu.memory_space<vmem>> -> memref<128xi32, #tpu.memory_space<vmem>>
    %dma_wait3A_222 = arith.constant 0 : i32
    %dma_wait3A_223 = arith.constant 0 : i32
    %dma_wait3A_224 = tpu.memref_slice %arg7[%dma_wait3A_222, %dma_wait3A_223] : memref<1000000x32xf32, #tpu.memory_space<hbm>> -> memref<1000000x32xf32, #tpu.memory_space<hbm>>
    tpu.wait_indirect_dma semaphore(%arg18 : memref<!tpu.dma_semaphore, #tpu.memory_space<semaphore_mem>>) src(%dma_wait3A_224 : memref<1000000x32xf32, #tpu.memory_space<hbm>>) dst(%dma_wait3A_219 : memref<128x32xf32, #tpu.memory_space<vmem>>)
    %dma_wait3A_225 = arith.constant 384 : i32
    %dma_wait3A_226 = arith.constant 0 : i32
    %dma_wait3A_227 = tpu.memref_slice %arg14[%dma_wait3A_225, %dma_wait3A_226] : memref<512x32xf32, #tpu.memory_space<vmem>> -> memref<128x32xf32, #tpu.memory_space<vmem>>
    %dma_wait3A_228 = arith.constant 384 : i32
    %dma_wait3A_229 = tpu.memref_slice %arg12[%dma_wait3A_228] : memref<512xi32, #tpu.memory_space<vmem>> -> memref<128xi32, #tpu.memory_space<vmem>>
    %dma_wait3A_230 = arith.constant 0 : i32
    %dma_wait3A_231 = arith.constant 0 : i32
    %dma_wait3A_232 = tpu.memref_slice %arg4[%dma_wait3A_230, %dma_wait3A_231] : memref<1000000x32xf32, #tpu.memory_space<hbm>> -> memref<1000000x32xf32, #tpu.memory_space<hbm>>
    tpu.wait_indirect_dma semaphore(%arg18 : memref<!tpu.dma_semaphore, #tpu.memory_space<semaphore_mem>>) src(%dma_wait3A_232 : memref<1000000x32xf32, #tpu.memory_space<hbm>>) dst(%dma_wait3A_227 : memref<128x32xf32, #tpu.memory_space<vmem>>)
    %dma_wait3A_233 = arith.constant 384 : i32
    %dma_wait3A_234 = arith.constant 0 : i32
    %dma_wait3A_235 = tpu.memref_slice %arg15[%dma_wait3A_233, %dma_wait3A_234] : memref<512x32xf32, #tpu.memory_space<vmem>> -> memref<128x32xf32, #tpu.memory_space<vmem>>
    %dma_wait3A_236 = arith.constant 384 : i32
    %dma_wait3A_237 = tpu.memref_slice %arg13[%dma_wait3A_236] : memref<512xi32, #tpu.memory_space<vmem>> -> memref<128xi32, #tpu.memory_space<vmem>>
    %dma_wait3A_238 = arith.constant 0 : i32
    %dma_wait3A_239 = arith.constant 0 : i32
    %dma_wait3A_240 = tpu.memref_slice %arg5[%dma_wait3A_238, %dma_wait3A_239] : memref<1000000x32xf32, #tpu.memory_space<hbm>> -> memref<1000000x32xf32, #tpu.memory_space<hbm>>
    tpu.wait_indirect_dma semaphore(%arg18 : memref<!tpu.dma_semaphore, #tpu.memory_space<semaphore_mem>>) src(%dma_wait3A_240 : memref<1000000x32xf32, #tpu.memory_space<hbm>>) dst(%dma_wait3A_235 : memref<128x32xf32, #tpu.memory_space<vmem>>)
    %dma_wait3A_241 = arith.constant 384 : i32
    %dma_wait3A_242 = arith.constant 0 : i32
    %dma_wait3A_243 = tpu.memref_slice %arg16[%dma_wait3A_241, %dma_wait3A_242] : memref<512x32xf32, #tpu.memory_space<vmem>> -> memref<128x32xf32, #tpu.memory_space<vmem>>
    %dma_wait3A_244 = arith.constant 384 : i32
    %dma_wait3A_245 = tpu.memref_slice %arg12[%dma_wait3A_244] : memref<512xi32, #tpu.memory_space<vmem>> -> memref<128xi32, #tpu.memory_space<vmem>>
    %dma_wait3A_246 = arith.constant 0 : i32
    %dma_wait3A_247 = arith.constant 0 : i32
    %dma_wait3A_248 = tpu.memref_slice %arg6[%dma_wait3A_246, %dma_wait3A_247] : memref<1000000x32xf32, #tpu.memory_space<hbm>> -> memref<1000000x32xf32, #tpu.memory_space<hbm>>
    tpu.wait_indirect_dma semaphore(%arg18 : memref<!tpu.dma_semaphore, #tpu.memory_space<semaphore_mem>>) src(%dma_wait3A_248 : memref<1000000x32xf32, #tpu.memory_space<hbm>>) dst(%dma_wait3A_243 : memref<128x32xf32, #tpu.memory_space<vmem>>)
    %dma_wait3A_249 = arith.constant 384 : i32
    %dma_wait3A_250 = arith.constant 0 : i32
    %dma_wait3A_251 = tpu.memref_slice %arg17[%dma_wait3A_249, %dma_wait3A_250] : memref<512x32xf32, #tpu.memory_space<vmem>> -> memref<128x32xf32, #tpu.memory_space<vmem>>
    %dma_wait3A_252 = arith.constant 384 : i32
    %dma_wait3A_253 = tpu.memref_slice %arg13[%dma_wait3A_252] : memref<512xi32, #tpu.memory_space<vmem>> -> memref<128xi32, #tpu.memory_space<vmem>>
    %dma_wait3A_254 = arith.constant 0 : i32
    %dma_wait3A_255 = arith.constant 0 : i32
    %dma_wait3A_256 = tpu.memref_slice %arg7[%dma_wait3A_254, %dma_wait3A_255] : memref<1000000x32xf32, #tpu.memory_space<hbm>> -> memref<1000000x32xf32, #tpu.memory_space<hbm>>
    tpu.wait_indirect_dma semaphore(%arg18 : memref<!tpu.dma_semaphore, #tpu.memory_space<semaphore_mem>>) src(%dma_wait3A_256 : memref<1000000x32xf32, #tpu.memory_space<hbm>>) dst(%dma_wait3A_251 : memref<128x32xf32, #tpu.memory_space<vmem>>)
    %dma_start3A_257 = arith.constant 0 : i32
    %dma_start3A_258 = tpu.memref_slice %arg8[%mul3A_2, %dma_start3A_257] : memref<16384x32xf32, #tpu.memory_space<hbm>> -> memref<512x32xf32, #tpu.memory_space<hbm>>
    %dma_start3A_259 = arith.constant 0 : i32
    %dma_start3A_260 = tpu.memref_slice %arg8[%mul3A_2, %dma_start3A_259] : memref<16384x32xf32, #tpu.memory_space<hbm>> -> memref<512x32xf32, #tpu.memory_space<hbm>>
    tpu.enqueue_dma source(%arg14 : memref<512x32xf32, #tpu.memory_space<vmem>>) target(%dma_start3A_260 : memref<512x32xf32, #tpu.memory_space<hbm>>) target_semaphore(%arg19 : memref<!tpu.dma_semaphore, #tpu.memory_space<semaphore_mem>>)
    %dma_start3A_261 = arith.constant 0 : i32
    %dma_start3A_262 = tpu.memref_slice %arg9[%mul3A_2, %dma_start3A_261] : memref<16384x32xf32, #tpu.memory_space<hbm>> -> memref<512x32xf32, #tpu.memory_space<hbm>>
    %dma_start3A_263 = arith.constant 0 : i32
    %dma_start3A_264 = tpu.memref_slice %arg9[%mul3A_2, %dma_start3A_263] : memref<16384x32xf32, #tpu.memory_space<hbm>> -> memref<512x32xf32, #tpu.memory_space<hbm>>
    tpu.enqueue_dma source(%arg15 : memref<512x32xf32, #tpu.memory_space<vmem>>) target(%dma_start3A_264 : memref<512x32xf32, #tpu.memory_space<hbm>>) target_semaphore(%arg19 : memref<!tpu.dma_semaphore, #tpu.memory_space<semaphore_mem>>)
    %dma_start3A_265 = arith.constant 0 : i32
    %dma_start3A_266 = tpu.memref_slice %arg10[%mul3A_2, %dma_start3A_265] : memref<16384x32xf32, #tpu.memory_space<hbm>> -> memref<512x32xf32, #tpu.memory_space<hbm>>
    %dma_start3A_267 = arith.constant 0 : i32
    %dma_start3A_268 = tpu.memref_slice %arg10[%mul3A_2, %dma_start3A_267] : memref<16384x32xf32, #tpu.memory_space<hbm>> -> memref<512x32xf32, #tpu.memory_space<hbm>>
    tpu.enqueue_dma source(%arg16 : memref<512x32xf32, #tpu.memory_space<vmem>>) target(%dma_start3A_268 : memref<512x32xf32, #tpu.memory_space<hbm>>) target_semaphore(%arg19 : memref<!tpu.dma_semaphore, #tpu.memory_space<semaphore_mem>>)
    %dma_start3A_269 = arith.constant 0 : i32
    %dma_start3A_270 = tpu.memref_slice %arg11[%mul3A_2, %dma_start3A_269] : memref<16384x32xf32, #tpu.memory_space<hbm>> -> memref<512x32xf32, #tpu.memory_space<hbm>>
    %dma_start3A_271 = arith.constant 0 : i32
    %dma_start3A_272 = tpu.memref_slice %arg11[%mul3A_2, %dma_start3A_271] : memref<16384x32xf32, #tpu.memory_space<hbm>> -> memref<512x32xf32, #tpu.memory_space<hbm>>
    tpu.enqueue_dma source(%arg17 : memref<512x32xf32, #tpu.memory_space<vmem>>) target(%dma_start3A_272 : memref<512x32xf32, #tpu.memory_space<hbm>>) target_semaphore(%arg19 : memref<!tpu.dma_semaphore, #tpu.memory_space<semaphore_mem>>)
    %dma_wait3A_273 = arith.constant 0 : i32
    %dma_wait3A_274 = tpu.memref_slice %arg8[%mul3A_2, %dma_wait3A_273] : memref<16384x32xf32, #tpu.memory_space<hbm>> -> memref<512x32xf32, #tpu.memory_space<hbm>>
    %dma_wait3A_275 = arith.constant 0 : i32
    %dma_wait3A_276 = tpu.memref_slice %arg8[%mul3A_2, %dma_wait3A_275] : memref<16384x32xf32, #tpu.memory_space<hbm>> -> memref<512x32xf32, #tpu.memory_space<hbm>>
    tpu.wait_dma2 semaphore(%arg19 : memref<!tpu.dma_semaphore, #tpu.memory_space<semaphore_mem>>) src(%arg14 : memref<512x32xf32, #tpu.memory_space<vmem>>) dst(%dma_wait3A_276 : memref<512x32xf32, #tpu.memory_space<hbm>>)
    %dma_wait3A_277 = arith.constant 0 : i32
    %dma_wait3A_278 = tpu.memref_slice %arg9[%mul3A_2, %dma_wait3A_277] : memref<16384x32xf32, #tpu.memory_space<hbm>> -> memref<512x32xf32, #tpu.memory_space<hbm>>
    %dma_wait3A_279 = arith.constant 0 : i32
    %dma_wait3A_280 = tpu.memref_slice %arg9[%mul3A_2, %dma_wait3A_279] : memref<16384x32xf32, #tpu.memory_space<hbm>> -> memref<512x32xf32, #tpu.memory_space<hbm>>
    tpu.wait_dma2 semaphore(%arg19 : memref<!tpu.dma_semaphore, #tpu.memory_space<semaphore_mem>>) src(%arg15 : memref<512x32xf32, #tpu.memory_space<vmem>>) dst(%dma_wait3A_280 : memref<512x32xf32, #tpu.memory_space<hbm>>)
    %dma_wait3A_281 = arith.constant 0 : i32
    %dma_wait3A_282 = tpu.memref_slice %arg10[%mul3A_2, %dma_wait3A_281] : memref<16384x32xf32, #tpu.memory_space<hbm>> -> memref<512x32xf32, #tpu.memory_space<hbm>>
    %dma_wait3A_283 = arith.constant 0 : i32
    %dma_wait3A_284 = tpu.memref_slice %arg10[%mul3A_2, %dma_wait3A_283] : memref<16384x32xf32, #tpu.memory_space<hbm>> -> memref<512x32xf32, #tpu.memory_space<hbm>>
    tpu.wait_dma2 semaphore(%arg19 : memref<!tpu.dma_semaphore, #tpu.memory_space<semaphore_mem>>) src(%arg16 : memref<512x32xf32, #tpu.memory_space<vmem>>) dst(%dma_wait3A_284 : memref<512x32xf32, #tpu.memory_space<hbm>>)
    %dma_wait3A_285 = arith.constant 0 : i32
    %dma_wait3A_286 = tpu.memref_slice %arg11[%mul3A_2, %dma_wait3A_285] : memref<16384x32xf32, #tpu.memory_space<hbm>> -> memref<512x32xf32, #tpu.memory_space<hbm>>
    %dma_wait3A_287 = arith.constant 0 : i32
    %dma_wait3A_288 = tpu.memref_slice %arg11[%mul3A_2, %dma_wait3A_287] : memref<16384x32xf32, #tpu.memory_space<hbm>> -> memref<512x32xf32, #tpu.memory_space<hbm>>
    tpu.wait_dma2 semaphore(%arg19 : memref<!tpu.dma_semaphore, #tpu.memory_space<semaphore_mem>>) src(%arg17 : memref<512x32xf32, #tpu.memory_space<vmem>>) dst(%dma_wait3A_288 : memref<512x32xf32, #tpu.memory_space<hbm>>)
    return
  }
}

module attributes {stable_mosaic.version = 14 : i64} {
  func.func @_repack_body(%arg0: i32, %arg1: memref<32x4096xf32, #tpu.memory_space<vmem>>, %arg2: memref<32x4096xf32, #tpu.memory_space<vmem>>, %arg3: memref<4096x32xf32, #tpu.memory_space<vmem>>, %arg4: memref<4096x32xf32, #tpu.memory_space<vmem>>) attributes {dimension_semantics = [#tpu.dimension_semantics<arbitrary>], iteration_bounds = array<i64: 245>, scalar_prefetch = 0 : i64, scratch_operands = 0 : i64, tpu.core_type = #tpu.core_type<tc>, window_params = [{transform_indices = @transform_0, window_bounds = array<i64: 32, 4096>}, {transform_indices = @transform_1, window_bounds = array<i64: 32, 4096>}, {transform_indices = @transform_2, window_bounds = array<i64: 4096, 32>}, {transform_indices = @transform_3, window_bounds = array<i64: 4096, 32>}]} {
    %get3A = arith.constant 0 : index
    %get3A_0 = arith.constant 0 : index
    %get3A_1 = vector.load %arg1[%get3A, %get3A_0] : memref<32x4096xf32, #tpu.memory_space<vmem>>, vector<32x4096xf32>
    %transpose3A = tpu.transpose %get3A_1, [1, 0] : vector<32x4096xf32> -> vector<4096x32xf32>
    %swap3A = arith.constant 0 : index
    %swap3A_2 = arith.constant 0 : index
    %swap3A_3 = vector.load %arg3[%swap3A, %swap3A_2] : memref<4096x32xf32, #tpu.memory_space<vmem>>, vector<4096x32xf32>
    tpu.vector_store %arg3[%swap3A, %swap3A_2], %transpose3A {strides = array<i32>} : memref<4096x32xf32, #tpu.memory_space<vmem>>, vector<4096x32xf32>,
    %get3A_4 = arith.constant 0 : index
    %get3A_5 = arith.constant 0 : index
    %get3A_6 = vector.load %arg2[%get3A_4, %get3A_5] : memref<32x4096xf32, #tpu.memory_space<vmem>>, vector<32x4096xf32>
    %transpose3A_7 = tpu.transpose %get3A_6, [1, 0] : vector<32x4096xf32> -> vector<4096x32xf32>
    %swap3A_8 = arith.constant 0 : index
    %swap3A_9 = arith.constant 0 : index
    %swap3A_10 = vector.load %arg4[%swap3A_8, %swap3A_9] : memref<4096x32xf32, #tpu.memory_space<vmem>>, vector<4096x32xf32>
    tpu.vector_store %arg4[%swap3A_8, %swap3A_9], %transpose3A_7 {strides = array<i32>} : memref<4096x32xf32, #tpu.memory_space<vmem>>, vector<4096x32xf32>,
    return
  }
  func.func @transform_0(%arg0: i32) -> (i32, i32) {
    %c0_i32 = arith.constant 0 : i32
    %c0_i32_0 = arith.constant 0 : i32
    return %c0_i32, %arg0 : i32, i32
  }
  func.func @transform_1(%arg0: i32) -> (i32, i32) {
    %c0_i32 = arith.constant 0 : i32
    %c0_i32_0 = arith.constant 0 : i32
    return %c0_i32, %arg0 : i32, i32
  }
  func.func @transform_2(%arg0: i32) -> (i32, i32) {
    %c0_i32 = arith.constant 0 : i32
    %c0_i32_0 = arith.constant 0 : i32
    return %arg0, %c0_i32 : i32, i32
  }
  func.func @transform_3(%arg0: i32) -> (i32, i32) {
    %c0_i32 = arith.constant 0 : i32
    %c0_i32_0 = arith.constant 0 : i32
    return %arg0, %c0_i32 : i32, i32
  }
}

module attributes {stable_mosaic.version = 14 : i64} {
  func.func @_dense_body(%arg0: i32, %arg1: memref<2048x32xf32, #tpu.memory_space<vmem>>, %arg2: memref<2048x32xf32, #tpu.memory_space<vmem>>, %arg3: memref<2048x32xf32, #tpu.memory_space<vmem>>, %arg4: memref<2048x32xf32, #tpu.memory_space<vmem>>, %arg5: memref<32x32xf32, #tpu.memory_space<vmem>>, %arg6: memref<32x32xf32, #tpu.memory_space<vmem>>, %arg7: memref<1x32xf32, #tpu.memory_space<vmem>>, %arg8: memref<32x16xf32, #tpu.memory_space<vmem>>, %arg9: memref<1x16xf32, #tpu.memory_space<vmem>>, %arg10: memref<16x1xf32, #tpu.memory_space<vmem>>, %arg11: memref<32x1xf32, #tpu.memory_space<vmem>>, %arg12: memref<1x1xf32, #tpu.memory_space<vmem>>, %arg13: memref<2048x1xf32, #tpu.memory_space<vmem>>) attributes {dimension_semantics = [#tpu.dimension_semantics<arbitrary>], iteration_bounds = array<i64: 8>, scalar_prefetch = 0 : i64, scratch_operands = 0 : i64, tpu.core_type = #tpu.core_type<tc>, window_params = [{transform_indices = @transform_0, window_bounds = array<i64: 2048, 32>}, {transform_indices = @transform_1, window_bounds = array<i64: 2048, 32>}, {transform_indices = @transform_2, window_bounds = array<i64: 2048, 32>}, {transform_indices = @transform_3, window_bounds = array<i64: 2048, 32>}, {pipeline_mode = #tpu.pipeline_mode<synchronous>, transform_indices = @transform_4, window_bounds = array<i64: 32, 32>}, {pipeline_mode = #tpu.pipeline_mode<synchronous>, transform_indices = @transform_5, window_bounds = array<i64: 32, 32>}, {pipeline_mode = #tpu.pipeline_mode<synchronous>, transform_indices = @transform_6, window_bounds = array<i64: 1, 32>}, {pipeline_mode = #tpu.pipeline_mode<synchronous>, transform_indices = @transform_7, window_bounds = array<i64: 32, 16>}, {pipeline_mode = #tpu.pipeline_mode<synchronous>, transform_indices = @transform_8, window_bounds = array<i64: 1, 16>}, {pipeline_mode = #tpu.pipeline_mode<synchronous>, transform_indices = @transform_9, window_bounds = array<i64: 16, 1>}, {pipeline_mode = #tpu.pipeline_mode<synchronous>, transform_indices = @transform_10, window_bounds = array<i64: 32, 1>}, {pipeline_mode = #tpu.pipeline_mode<synchronous>, transform_indices = @transform_11, window_bounds = array<i64: 1, 1>}, {transform_indices = @transform_12, window_bounds = array<i64: 2048, 1>}]} {
    %get3A = arith.constant 0 : index
    %get3A_0 = arith.constant 0 : index
    %get3A_1 = vector.load %arg1[%get3A, %get3A_0] : memref<2048x32xf32, #tpu.memory_space<vmem>>, vector<2048x32xf32>
    %get3A_2 = arith.constant 0 : index
    %get3A_3 = arith.constant 0 : index
    %get3A_4 = vector.load %arg5[%get3A_2, %get3A_3] : memref<32x32xf32, #tpu.memory_space<vmem>>, vector<32x32xf32>
    %dot_general3A = arith.constant dense<0.000000e+00> : vector<2048x32xf32>
    %dot_general3A_5 = tpu.matmul %get3A_1, %get3A_4, %dot_general3A {dimension_numbers = #tpu.dot_dimension_numbers<[1], [0], [0], [1], [0, 0, 1, 1], [], []>, transpose_lhs_hint = false} : vector<2048x32xf32>, vector<32x32xf32>, vector<2048x32xf32> -> vector<2048x32xf32>
    %get3A_6 = arith.constant 0 : index
    %get3A_7 = arith.constant 0 : index
    %get3A_8 = vector.load %arg2[%get3A_6, %get3A_7] : memref<2048x32xf32, #tpu.memory_space<vmem>>, vector<2048x32xf32>
    %get3A_9 = arith.constant 0 : index
    %get3A_10 = arith.constant 0 : index
    %get3A_11 = vector.load %arg6[%get3A_9, %get3A_10] : memref<32x32xf32, #tpu.memory_space<vmem>>, vector<32x32xf32>
    %dot_general3A_12 = arith.constant dense<0.000000e+00> : vector<2048x32xf32>
    %dot_general3A_13 = tpu.matmul %get3A_8, %get3A_11, %dot_general3A_12 {dimension_numbers = #tpu.dot_dimension_numbers<[1], [0], [0], [1], [0, 0, 1, 1], [], []>, transpose_lhs_hint = false} : vector<2048x32xf32>, vector<32x32xf32>, vector<2048x32xf32> -> vector<2048x32xf32>
    %add3A = arith.addf %dot_general3A_5, %dot_general3A_13 : vector<2048x32xf32>
    %get3A_14 = arith.constant 0 : index
    %get3A_15 = arith.constant 0 : index
    %get3A_16 = vector.load %arg7[%get3A_14, %get3A_15] : memref<1x32xf32, #tpu.memory_space<vmem>>, vector<1x32xf32>
    %add3A_17 = vector.broadcast %get3A_16 : vector<1x32xf32> to vector<2048x32xf32>
    %add3A_18 = arith.addf %add3A, %add3A_17 : vector<2048x32xf32>
    %max3A = arith.constant 0.000000e+00 : f32
    %max3A_19 = vector.broadcast %max3A : f32 to vector<2048x32xf32>
    %max3A_20 = arith.maximumf %add3A_18, %max3A_19 : vector<2048x32xf32>
    %get3A_21 = arith.constant 0 : index
    %get3A_22 = arith.constant 0 : index
    %get3A_23 = vector.load %arg8[%get3A_21, %get3A_22] : memref<32x16xf32, #tpu.memory_space<vmem>>, vector<32x16xf32>
    %dot_general3A_24 = arith.constant dense<0.000000e+00> : vector<2048x16xf32>
    %dot_general3A_25 = tpu.matmul %max3A_20, %get3A_23, %dot_general3A_24 {dimension_numbers = #tpu.dot_dimension_numbers<[1], [0], [0], [1], [0, 0, 1, 1], [], []>, transpose_lhs_hint = false} : vector<2048x32xf32>, vector<32x16xf32>, vector<2048x16xf32> -> vector<2048x16xf32>
    %get3A_26 = arith.constant 0 : index
    %get3A_27 = arith.constant 0 : index
    %get3A_28 = vector.load %arg9[%get3A_26, %get3A_27] : memref<1x16xf32, #tpu.memory_space<vmem>>, vector<1x16xf32>
    %add3A_29 = vector.broadcast %get3A_28 : vector<1x16xf32> to vector<2048x16xf32>
    %add3A_30 = arith.addf %dot_general3A_25, %add3A_29 : vector<2048x16xf32>
    %max3A_31 = arith.constant 0.000000e+00 : f32
    %max3A_32 = vector.broadcast %max3A_31 : f32 to vector<2048x16xf32>
    %max3A_33 = arith.maximumf %add3A_30, %max3A_32 : vector<2048x16xf32>
    %get3A_34 = arith.constant 0 : index
    %get3A_35 = arith.constant 0 : index
    %get3A_36 = vector.load %arg3[%get3A_34, %get3A_35] : memref<2048x32xf32, #tpu.memory_space<vmem>>, vector<2048x32xf32>
    %get3A_37 = arith.constant 0 : index
    %get3A_38 = arith.constant 0 : index
    %get3A_39 = vector.load %arg4[%get3A_37, %get3A_38] : memref<2048x32xf32, #tpu.memory_space<vmem>>, vector<2048x32xf32>
    %mul3A = arith.mulf %get3A_36, %get3A_39 : vector<2048x32xf32>
    %get3A_40 = arith.constant 0 : index
    %get3A_41 = arith.constant 0 : index
    %get3A_42 = vector.load %arg10[%get3A_40, %get3A_41] : memref<16x1xf32, #tpu.memory_space<vmem>>, vector<16x1xf32>
    %dot_general3A_43 = arith.constant dense<0.000000e+00> : vector<2048x1xf32>
    %dot_general3A_44 = tpu.matmul %max3A_33, %get3A_42, %dot_general3A_43 {dimension_numbers = #tpu.dot_dimension_numbers<[1], [0], [0], [1], [0, 0, 1, 1], [], []>, transpose_lhs_hint = false} : vector<2048x16xf32>, vector<16x1xf32>, vector<2048x1xf32> -> vector<2048x1xf32>
    %get3A_45 = arith.constant 0 : index
    %get3A_46 = arith.constant 0 : index
    %get3A_47 = vector.load %arg11[%get3A_45, %get3A_46] : memref<32x1xf32, #tpu.memory_space<vmem>>, vector<32x1xf32>
    %dot_general3A_48 = arith.constant dense<0.000000e+00> : vector<2048x1xf32>
    %dot_general3A_49 = tpu.matmul %mul3A, %get3A_47, %dot_general3A_48 {dimension_numbers = #tpu.dot_dimension_numbers<[1], [0], [0], [1], [0, 0, 1, 1], [], []>, transpose_lhs_hint = false} : vector<2048x32xf32>, vector<32x1xf32>, vector<2048x1xf32> -> vector<2048x1xf32>
    %add3A_50 = arith.addf %dot_general3A_44, %dot_general3A_49 : vector<2048x1xf32>
    %get3A_51 = arith.constant 0 : index
    %get3A_52 = arith.constant 0 : index
    %get3A_53 = vector.load %arg12[%get3A_51, %get3A_52] : memref<1x1xf32, #tpu.memory_space<vmem>>, vector<1x1xf32>
    %add3A_54 = vector.broadcast %get3A_53 : vector<1x1xf32> to vector<2048x1xf32>
    %add3A_55 = arith.addf %add3A_50, %add3A_54 : vector<2048x1xf32>
    %swap3A = arith.constant 0 : index
    %swap3A_56 = arith.constant 0 : index
    %swap3A_57 = vector.load %arg13[%swap3A, %swap3A_56] : memref<2048x1xf32, #tpu.memory_space<vmem>>, vector<2048x1xf32>
    tpu.vector_store %arg13[%swap3A, %swap3A_56], %add3A_55 {strides = array<i32>} : memref<2048x1xf32, #tpu.memory_space<vmem>>, vector<2048x1xf32>,
    return
  }
  func.func @transform_0(%arg0: i32) -> (i32, i32) {
    %c0_i32 = arith.constant 0 : i32
    %c0_i32_0 = arith.constant 0 : i32
    return %arg0, %c0_i32 : i32, i32
  }
  func.func @transform_1(%arg0: i32) -> (i32, i32) {
    %c0_i32 = arith.constant 0 : i32
    %c0_i32_0 = arith.constant 0 : i32
    return %arg0, %c0_i32 : i32, i32
  }
  func.func @transform_2(%arg0: i32) -> (i32, i32) {
    %c0_i32 = arith.constant 0 : i32
    %c0_i32_0 = arith.constant 0 : i32
    return %arg0, %c0_i32 : i32, i32
  }
  func.func @transform_3(%arg0: i32) -> (i32, i32) {
    %c0_i32 = arith.constant 0 : i32
    %c0_i32_0 = arith.constant 0 : i32
    return %arg0, %c0_i32 : i32, i32
  }
  func.func @transform_4(%arg0: i32) -> (i32, i32) {
    %c0_i32 = arith.constant 0 : i32
    %c0_i32_0 = arith.constant 0 : i32
    %c0_i32_1 = arith.constant 0 : i32
    return %c0_i32, %c0_i32_0 : i32, i32
  }
  func.func @transform_5(%arg0: i32) -> (i32, i32) {
    %c0_i32 = arith.constant 0 : i32
    %c0_i32_0 = arith.constant 0 : i32
    %c0_i32_1 = arith.constant 0 : i32
    return %c0_i32, %c0_i32_0 : i32, i32
  }
  func.func @transform_6(%arg0: i32) -> (i32, i32) {
    %c0_i32 = arith.constant 0 : i32
    %c0_i32_0 = arith.constant 0 : i32
    %c0_i32_1 = arith.constant 0 : i32
    return %c0_i32, %c0_i32_0 : i32, i32
  }
  func.func @transform_7(%arg0: i32) -> (i32, i32) {
    %c0_i32 = arith.constant 0 : i32
    %c0_i32_0 = arith.constant 0 : i32
    %c0_i32_1 = arith.constant 0 : i32
    return %c0_i32, %c0_i32_0 : i32, i32
  }
  func.func @transform_8(%arg0: i32) -> (i32, i32) {
    %c0_i32 = arith.constant 0 : i32
    %c0_i32_0 = arith.constant 0 : i32
    %c0_i32_1 = arith.constant 0 : i32
    return %c0_i32, %c0_i32_0 : i32, i32
  }
  func.func @transform_9(%arg0: i32) -> (i32, i32) {
    %c0_i32 = arith.constant 0 : i32
    %c0_i32_0 = arith.constant 0 : i32
    %c0_i32_1 = arith.constant 0 : i32
    return %c0_i32, %c0_i32_0 : i32, i32
  }
  func.func @transform_10(%arg0: i32) -> (i32, i32) {
    %c0_i32 = arith.constant 0 : i32
    %c0_i32_0 = arith.constant 0 : i32
    %c0_i32_1 = arith.constant 0 : i32
    return %c0_i32, %c0_i32_0 : i32, i32
  }
  func.func @transform_11(%arg0: i32) -> (i32, i32) {
    %c0_i32 = arith.constant 0 : i32
    %c0_i32_0 = arith.constant 0 : i32
    %c0_i32_1 = arith.constant 0 : i32
    return %c0_i32, %c0_i32_0 : i32, i32
  }
  func.func @transform_12(%arg0: i32) -> (i32, i32) {
    %c0_i32 = arith.constant 0 : i32
    %c0_i32_0 = arith.constant 0 : i32
    return %arg0, %c0_i32 : i32, i32
  }
}

</mosaic_0001>

<sc_bundles>
// kernel: kernel.5.cloned.1.call-start
scs
__scs_entry_jumppad:
0x0: {  	(pc) =	sbr.rel $0x88, $3  }
0x1: {  	(tag) =	ssettag $0x0;
	lr =	simm.s32 $0x1  }
0x2: {  	[smem:$0x3F95] =	sst lr;
	_ =	strace $0xD0000000  }
0x3: {  	_ = 	snop  }
0x4: {  	_ = 	snop  }
0x5: {  	_ = 	snop  }
0x6: {  	_ = 	snop  }
0x7: {  	_ = 	snop  }
__scs_overlays_trampoline_lowered:
0x8: {  	[smem:$0x3FA4] =	sst s0  }
0x9: {  	[smem:$0x3FA5] =	sst s1  }
0xa: {  	[smem:$0x3FA6] =	sst s2  }
0xb: {  	[smem:$0x3FA7] =	sst s3  }
0xc: {  	[smem:$0x3FA8] =	sst s4  }
0xd: {  	[smem:$0x3FA9] =	sst s5  }
0xe: {  	[smem:$0x3FAA] =	sst s6  }
0xf: {  	[smem:$0x3FAB] =	sst s7  }
0x10: {  	[smem:$0x3FAC] =	sst s8  }
0x11: {  	[smem:$0x3FAD] =	sst s9;
	s0 =	simm.s32 @!p0 $0x0  }
0x12: {  	s1 =	sld [smem:$0x3F93];
	s0 =	simm.s32 @p0 $0x1  }
0x13: {  	[smem:$0x3FAE] =	sst s0;
	s0 =	simm.s32 @!p1 $0x0  }
0x14: {  	s2 =	sld [smem:$0x3F92];
	s0 =	simm.s32 @p1 $0x1  }
0x15: {  	[smem:$0x3FAF] =	sst s0;
	s0 =	simm.s32 @!p2 $0x0  }
0x16: {  	s3 =	sld [smem:$0x3FDB];
	s0 =	simm.s32 @p2 $0x1  }
0x17: {  	s4 =	simm.s32 $0x1BF5;
	[smem:$0x3FB1] =	sst s0  }
0x18: {  	s0 =	sld [smem:$0x3F94];
	_ =	swait.ge [sflag:s4], $0x0  }
0x19: {  	s7 =	sld [smem:$0x3F95]  }
0x1a: {  	s8 =	sadd.s32 $0xFFFFE003, lr  }
0x1b: {  	s9 =	sadd.s32 $0xFFFFFEF7, lr;
	s5 =	simm.s32 $0xFFFFFFFF;
	p2 =	slt.u32 s8, $0xFFFFF086  }
0x1c: {  	p1 =	slt.u32 s9, $0xF7A;
	s5 =	simm.s32 @!p2 $0x0  }
0x1d: {  	s5 =	simm.s32 @p1 $0x1;
	p0 =	seq.s32 s7, s2  }
0x1e: {  	s7 =	smul.u32 @!p0 $0xF7A, s2;
	p2 =	seq.s32 @!p0 s5, $0x0  }
0x1f: {  	s9 =	smul.u32 $0xF7A, s1;
	s8 =	simm.s32 @!p0 $0x1BF5;
	p2 =	por !p2, p0  }
0x20: {  	[sflag:s8] =	ssyncset.s32 @!p0 $0xFFFFF086;
	s6 =	sadd.s32 @!p0 s3, s7;
	s7 =	simm.s32 @!p0 $0x108  }
0x21: {  	s3 =	sadd.s32 s3, s9;
	s6 =	sadd.s32 @!p0 $0x88, s6;
	s7 =	simm.s32 @p2 $0x1082  }
0x22: {  	[simem:s7], [sflag:s8] =	dma.local @!p0 [hbm:s6], $0xF7A  }
0x23: {  	s9 =	sor.u32 $0xD0000000, s2;
	s6 =	simm.s32 $0x108;
	_ =	swait.ge @!p0 [sflag:s8], $0x0  }
0x24: {  	s3 =	sadd.s32 $0x88, s3;
	s6 =	simm.s32 @!p1 $0x1082;
	[sflag:s4] =	ssyncset.s32 $0xFFFFF086  }
0x25: {  	[simem:s6], [sflag:s4] =	dma.local [hbm:s3], $0xF7A  }
0x26: {  	[smem:$0x3F95] =	sst s1;
	(tag) =	ssettag s2;
	_ =	strace s9  }
0x27: {  	s1 =	sld [smem:$0x3FA5]  }
0x28: {  	s2 =	sld [smem:$0x3FA6]  }
0x29: {  	s4 =	sld [smem:$0x3FA8]  }
0x2a: {  	p0 =	seq.s32 s5, $0x0;
	s5 =	sld [smem:$0x3FA9]  }
0x2b: {  	s6 =	sld [smem:$0x3FAA]  }
0x2c: {  	s7 =	sld [smem:$0x3FAB]  }
0x2d: {  	s3 =	simm.s32 $0x108;
	s8 =	sld [smem:$0x3FAC]  }
0x2e: {  	s3 =	simm.s32 @!p0 $0x1082;
	s9 =	sld [smem:$0x3FAD]  }
0x2f: {  	lr =	sadd.s32 s0, s3;
	s0 =	sld [smem:$0x3FA4]  }
0x30: {  	s3 =	sld [smem:$0x3FA7]  }
0x31: {  	[smem:$0x3FB0] =	sst s10  }
0x32: {  	s10 =	sld [smem:$0x3FAE];
	_ =	sdelay $0x3  }
0x33: {  	p0 =	seq.s32 s10, $0x1;
	s10 =	sld [smem:$0x3FB0];
	_ =	sdelay $0x3  }
0x34: {  	[smem:$0x3FB0] =	sst s10  }
0x35: {  	s10 =	sld [smem:$0x3FAF];
	_ =	sdelay $0x3  }
0x36: {  	p1 =	seq.s32 s10, $0x1;
	s10 =	sld [smem:$0x3FB0];
	_ =	sdelay $0x3  }
0x37: {  	[smem:$0x3FB0] =	sst s10  }
0x38: {  	s10 =	sld [smem:$0x3FB1]  }
0x39: {  	_ = 	snop;
	(pc) =	sbr.ind lr, $3  }
0x3a: {  	_ = 	snop  }
0x3b: {  	_ = 	snop  }
0x3c: {  	p2 =	seq.s32 s10, $0x1;
	s10 =	sld [smem:$0x3FB0]  }
0x3d: {  	_ =	shalt  }
0x3e: {  	_ =	shalt  }
0x3f: {  	_ =	shalt  }
0x40: {  	_ =	shalt  }
0x41: {  	_ =	shalt  }
0x42: {  	_ =	shalt  }
0x43: {  	_ =	shalt  }
0x44: {  	_ =	shalt  }
0x45: {  	_ =	shalt  }
0x46: {  	_ =	shalt  }
0x47: {  	_ =	shalt  }
0x48: {  	_ =	shalt  }
0x49: {  	_ =	shalt  }
0x4a: {  	_ =	shalt  }
0x4b: {  	_ =	shalt  }
0x4c: {  	_ =	shalt  }
0x4d: {  	_ =	shalt  }
0x4e: {  	_ =	shalt  }
0x4f: {  	_ =	shalt  }
0x50: {  	_ =	shalt  }
0x51: {  	_ =	shalt  }
0x52: {  	_ =	shalt  }
0x53: {  	_ =	shalt  }
0x54: {  	_ =	shalt  }
0x55: {  	_ =	shalt  }
0x56: {  	_ =	shalt  }
0x57: {  	_ =	shalt  }
0x58: {  	_ =	shalt  }
0x59: {  	_ =	shalt  }
0x5a: {  	_ =	shalt  }
0x5b: {  	_ =	shalt  }
0x5c: {  	_ =	shalt  }
0x5d: {  	_ =	shalt  }
0x5e: {  	_ =	shalt  }
0x5f: {  	_ =	shalt  }
0x60: {  	_ =	shalt  }
0x61: {  	_ =	shalt  }
0x62: {  	_ =	shalt  }
0x63: {  	_ =	shalt  }
0x64: {  	_ =	shalt  }
0x65: {  	_ =	shalt  }
0x66: {  	_ =	shalt  }
0x67: {  	_ =	shalt  }
0x68: {  	_ =	shalt  }
0x69: {  	_ =	shalt  }
0x6a: {  	_ =	shalt  }
0x6b: {  	_ =	shalt  }
0x6c: {  	_ =	shalt  }
0x6d: {  	_ =	shalt  }
0x6e: {  	_ =	shalt  }
0x6f: {  	_ =	shalt  }
0x70: {  	_ =	shalt  }
0x71: {  	_ =	shalt  }
0x72: {  	_ =	shalt  }
0x73: {  	_ =	shalt  }
0x74: {  	_ =	shalt  }
0x75: {  	_ =	shalt  }
0x76: {  	_ =	shalt  }
0x77: {  	_ =	shalt  }
0x78: {  	_ =	shalt  }
0x79: {  	_ =	shalt  }
0x7a: {  	_ =	shalt  }
0x7b: {  	_ =	shalt  }
0x7c: {  	_ =	shalt  }
0x7d: {  	_ =	shalt  }
0x7e: {  	_ =	shalt  }
0x7f: {  	_ =	shalt  }
0x80: {  	_ =	shalt  }
0x81: {  	_ =	shalt  }
0x82: {  	_ =	shalt  }
0x83: {  	_ =	shalt  }
0x84: {  	_ =	shalt  }
0x85: {  	_ =	shalt  }
0x86: {  	_ =	shalt  }
0x87: {  	_ =	shalt  }
.Lfunc_end0:
.L_simem_size_0:
called_computation_lowered:
.L_overlay_start_0:
0x88: {  	s2 =	sld [smem:$0x3FD9]  }
0x89: {  	s3 =	sld [smem:$0x3FFE];
	_ =	sdelay $0x1  }
0x8a: {  	s1 =	srdreg.scid  }
0x8b: {  	s0 =	sand.u32 $0x1, s1  }
0x8c: {  	s17 =	sshll.u32 s0, $0xA;
	s2 =	sadd.s32 s3, s2  }
0x8d: {  	s2 =	sadd.s32 s2, s17  }
0x8e: {  	[smem:$0x3FBC] =	sst s2  }
0x8f: {  	_ = 	snop  }
0x90: {  	s2 =	sld [smem:$0x3FC9]  }
0x91: {  	s18 =	sld [smem:$0x3FC8];
	(tm) =	ssettm $0x1  }
0x92: {  	s4 =	sld [smem:$0x3FFB];
	_ =	sdelay $0x3  }
0x93: {  	_ =	strace s4  }
0x94: {  	s4 =	sld [smem:$0x3FFC];
	_ =	sdelay $0x3  }
0x95: {  	_ =	strace s4  }
0x96: {  	s4 =	sld [smem:$0x3FFD];
	_ =	sdelay $0x3  }
0x97: {  	_ =	strace s4  }
0x98: {  	_ =	strace $0x8FFFFFFF  }
0x99: {  	s19 =	sld [smem:$0x3FDB];
	_ =	sdelay $0x1  }
0x9a: {  	s5 =	simm.s32 $_scs_section_size  }
0x9b: {  	s6 =	simm.s32 $_size__tile_overlayer_lowered;
	s7 =	simm.s32 $_tile_overlayer_lowered  }
0x9c: {  	s22 =	simm.s32 $0x1BFF;
	s21 =	sshll.u32 s7, $0x1;
	s4 =	sadd.s32 s5, s19  }
0x9d: {  	s8 =	simm.s32 $0x0;
	s20 =	sshll.u32 s6, $0x1;
	s6 =	sadd.s32 s21, s4  }
0x9e: {  	[timem:s8], [sflag:s22] =	dma.local [hbm:s6], s20  }
0x9f: {  	_ =	swait.ge [sflag:s22], s20  }
0xa0: {  	s5 =	ssub.s32 $0x0, s20;
	[sflag:s22] =	ssyncset.done $0x0  }
0xa1: {  	[sflag:s22] =	ssyncadd.s32 s5;
	_ =	sdelay $0x1  }
0xa2: {  	s23 =	simm.s32 $0x1B8B  }
0xa3: {  	_ =	swait.ge [sflag:s23], $0x1  }
0xa4: {  	[sflag:s23] =	ssyncset.done $0x0  }
0xa5: {  	s25 =	simm.s32 $0x1B8E;
	s24 =	sld [smem:$0x3FFE];
	[sflag:s23] =	ssyncadd.s32 $0xFFFFFFFF  }
0xa6: {  	s26 =	simm.s32 $execute0_lowered;
	[smem:$0x3FD2] =	sst s25  }
0xa7: {  	s6 =	sshll.u32 s26, $0x1;
	_ =	strace $0x80000046;
	[dreg:$0x1] =	wrdreg $0xFFFFFFFF  }
0xa8: {  	s28 =	simm.s32 $_size_execute0_lowered;
	s4 =	sadd.s32 s4, s6;
	[dreg:$0x0] =	wrdreg $0x0  }
0xa9: {  	s6 =	sshll.u32 s28, $0x1;
	[dreg:$0x2] =	wrdreg s4  }
0xaa: {  	[dreg:$0x3] =	wrdreg s6  }
0xab: {  	[dreg:$0x4] =	wrdreg $0xC0  }
0xac: {  	_ =	task [dreg:s8], $0x5FFFF  }
0xad: {  	[dreg:$0x1] =	wrdreg $0xFFFFFFFF  }
0xae: {  	[dreg:$0x0] =	wrdreg $0x60  }
0xaf: {  	[dreg:$0x2] =	wrdreg s2  }
0xb0: {  	[dreg:$0x3] =	wrdreg s18  }
0xb1: {  	[dreg:$0x4] =	wrdreg s24  }
0xb2: {  	[dreg:$0x5] =	wrdreg $0x9  }
0xb3: {  	_ =	task.clear_ibuf [dreg:s8], $0x6FFFF;
	_ =	strace $0x90000046  }
0xb4: {  	s29 =	simm.s32 $0x9;
	_ =	strace $0x80000048  }
0xb5: {  	_ =	swait.ge [sflag:s29], $0x1  }
0xb6: {  	[sflag:s29] =	ssyncadd.s32 $0xFFFFFFFF  }
0xb7: {  	_ =	strace $0x90000048  }
0xb8: {  	_ =	sfence  }
0xb9: {  	s30 =	sld [smem:$0x0];
	_ =	sdelay $0x2  }
0xba: {  	s31 =	sshll.u32 s1, $0xD;
	s1 =	sshrl.u32 s1, $0x2  }
0xbb: {  	s3 =	sand.u32 $0x4000, s31;
	s1 =	sadd.s32 s1, s30  }
0xbc: {  	s0 =	sor.u32 s3, s0;
	s1 =	sshll.u32 s1, $0x11  }
0xbd: {  	s0 =	sor.u32 s1, s0  }
0xbe: {  	s0 =	sadd.s32 $0x8F2B, s0  }
0xbf: {  	[sflag:s0] =	ssyncadd.remote.s32 $0x1  }
0xc0: {  	_ =	sfence.sel $0xFFFF  }
0xc1: {  	[dreg:$0x0] =	wrdreg $0xFFFFFFFF;
	(pc) =	sbr.abs _section_cstart, $3  }
0xc2: {  	[dreg:$0x1] =	wrdreg $0xFFFFFFFF  }
0xc3: {  	_ =	task.clear_ibuf [dreg:s8], $0x2FFFF;
	_ =	strace $0x9FFFFFFF  }
0xc4: {  	(tm) =	ssettm $0x7FFFFFFF  }
0xc5: {  	_ =	shalt  }
tec
execute0_lowered:
.L_overlay_start_1:
0x0: {  	(tag) =	ssettag $0x1  }
0x1: {  	s0 =	rddreg [dreg:$0x0]  }
0x2: {  	s1 =	rddreg [dreg:$0x1]  }
0x3: {  	s3 =	rddreg [dreg:$0x2]  }
0x4: {  	s2 =	srdreg.scid;
	s19 =	rddreg [dreg:$0x3]  }
0x5: {  	s5 =	stileid.u32;
	s25 =	simm.s32 $0x1400;
	s26 =	simm.s32 $0x5400  }
0x6: {  	s22 =	simm.s32 $0xD400;
	s23 =	simm.s32 $0x2400;
	s24 =	simm.s32 $0x6400  }
0x7: {  	s21 =	simm.s32 $0x180;
	s29 =	simm.s32 $0x3400;
	p0 =	por $0x0, $0x0  }
0x8: {  	s28 =	simm.s32 $0x380;
	s30 =	simm.s32 $0x7400;
	s31 =	simm.s32 $0xB400  }
0x9: {  	s8 =	simm.s32 $0x1;
	s7 =	simm.s32 $0x2;
	s4 =	sand.u32 $0x1, s2  }
0xa: {  	s2 =	simm.s32 $0x0;
	s5 =	sshll.u32 s5, $0xA;
	s10 =	sadd.s32 $0x1E85A00, s3  }
0xb: {  	s9 =	sadd.s32 $0x1200, s3;
	s11 =	sadd.s32 $0x16E4A00, s3;
	s12 =	sadd.s32 $0x1314000, s3  }
0xc: {  	s6 =	sshll.u32 s4, $0x9;
	[smem:$0x7FF] =	sst s2;
	s16 =	ssub.s32 $0x2, s4  }
0xd: {  	s5 =	sor.u32 s6, s5;
	_ =	strace $0x80000047;
	[dreg:$0xa] =	wrdreg s25  }
0xe: {  	s4 =	sshrl.u32 s16, $0x1;
	[dreg:$0xb] =	wrdreg s26;
	s25 =	simm.s32 $0xA400  }
0xf: {  	s26 =	simm.s32 $0xE400;
	s6 =	sshrl.u32 s5, $0x3;
	s5 =	sshll.u32 s5, $0x2  }
0x10: {  	s0 =	sadd.s32 s0, s6;
	s5 =	sadd.s32 s5, s3;
	s13 =	sadd.s32 s1, s6  }
0x11: {  	s1 =	ssub.s32 s16, s4;
	s16 =	simm.s32 $0x3;
	s6 =	simm.s32 $0x400  }
0x12: {  	s3 =	simm.s32 $0x8400;
	s4 =	simm.s32 $0xC400;
	[dreg:$0x4] =	wrdreg s0  }
0x13: {  	[dreg:$0x5] =	wrdreg s13;
	s14 =	sadd.s32 $0x1AE5400, s5;
	s20 =	smax.u32 s1, $0x1  }
0x14: {  	s15 =	sadd.s32 $0x1AD5400, s5;
	[dreg:$0x6] =	wrdreg s14;
	p1 =	sne.s32 s20, $0x1  }
.Ltmp0:
0x15: {  	s17 =	sadd.s32 $0x1AC5400, s5;
	[dreg:$0x7] =	wrdreg s15;
	(pc) =	sbr.rel @!p1 .LBB2_1-.Ltmp0, $4  }
0x16: {  	s18 =	sadd.s32 $0x1AB5400, s5;
	s13 =	simm.s32 $0x80;
	[dreg:$0x8] =	wrdreg s17  }
0x17: {  	s5 =	simm.s32 $0x4400;
	[dreg:$0x9] =	wrdreg s18;
	s14 =	simm.s32 $0x200  }
0x18: {  	s15 =	simm.s32 $0x280;
	s17 =	simm.s32 $0x100;
	s18 =	simm.s32 $0x300  }
0x19: {  	s0 =	sadd.s32 $0xFFFFFFFF, s20;
	s20 =	simm.s32 $0xF400;
	s1 =	rddreg [dreg:$0x4]  }
0x1a: {  	[tilespmem:s2], [sflag:$0x3] =	stream.linear.gather [hbm4b:s1+s2], $0x200, $0x38;
	[tilespmem:$0x10400] =	vst v63  }
0x1b: {  	_ =	swait.ge [sflag:s16], $0x200  }
0x1c: {  	[sflag:s16] =	ssyncset.done $0x0  }
0x1d: {  	s19 =	rddreg [dreg:$0x5];
	[sflag:s16] =	ssyncadd.s32 $0xFFFFFE00  }
0x1e: {  	[tilespmem:s14], [sflag:$0x3] =	stream.linear.gather [hbm4b:s19+s2], $0x200, $0x38;
	[tilespmem:$0x10400] =	vst v63  }
0x1f: {  	_ =	swait.ge [sflag:s16], $0x200  }
0x20: {  	[sflag:s16] =	ssyncset.done $0x0  }
0x21: {  	[sflag:s16] =	ssyncadd.s32 $0xFFFFFE00  }
0x22: {  	[tilespmem:s6], [sflag:$0x1] =	stream.indirect.gather [hbm4b:s9+s13], $0x20, s2, s13, $0xb8;
	[tilespmem:$0x10400] =	vst v63  }
0x23: {  	_ = 	snop  }
0x24: {  	[tilespmem:s5], [sflag:$0x1] =	stream.indirect.gather [hbm4b:s10+s13], $0x20, s14, s13, $0xb8;
	[tilespmem:$0x10400] =	vst v63  }
0x25: {  	_ = 	snop  }
0x26: {  	[tilespmem:s3], [sflag:$0x1] =	stream.indirect.gather [hbm4b:s11+s13], $0x20, s2, s13, $0xb8;
	[tilespmem:$0x10400] =	vst v63  }
0x27: {  	_ = 	snop  }
0x28: {  	[tilespmem:s4], [sflag:$0x1] =	stream.indirect.gather [hbm4b:s12+s13], $0x20, s14, s13, $0xb8;
	[tilespmem:$0x10400] =	vst v63  }
0x29: {  	s1 =	rddreg [dreg:$0xa]  }
0x2a: {  	[tilespmem:s1], [sflag:$0x1] =	stream.indirect.gather [hbm4b:s9+s13], $0x20, s13, s13, $0xb8;
	[tilespmem:$0x10400] =	vst v63  }
0x2b: {  	s19 =	smov.u32 s0;
	s0 =	rddreg [dreg:$0xb]  }
0x2c: {  	[tilespmem:s0], [sflag:$0x1] =	stream.indirect.gather [hbm4b:s10+s13], $0x20, s15, s13, $0xb8;
	[tilespmem:$0x10400] =	vst v63  }
0x2d: {  	s1 =	simm.s32 $0x9400  }
0x2e: {  	[tilespmem:s1], [sflag:$0x1] =	stream.indirect.gather [hbm4b:s11+s13], $0x20, s13, s13, $0xb8;
	[tilespmem:$0x10400] =	vst v63  }
0x2f: {  	_ = 	snop  }
0x30: {  	[tilespmem:s22], [sflag:$0x1] =	stream.indirect.gather [hbm4b:s12+s13], $0x20, s15, s13, $0xb8;
	[tilespmem:$0x10400] =	vst v63  }
0x31: {  	_ = 	snop  }
0x32: {  	[tilespmem:s23], [sflag:$0x1] =	stream.indirect.gather [hbm4b:s9+s13], $0x20, s17, s13, $0xb8;
	[tilespmem:$0x10400] =	vst v63  }
0x33: {  	_ = 	snop  }
0x34: {  	[tilespmem:s24], [sflag:$0x1] =	stream.indirect.gather [hbm4b:s10+s13], $0x20, s18, s13, $0xb8;
	[tilespmem:$0x10400] =	vst v63  }
0x35: {  	_ = 	snop  }
0x36: {  	[tilespmem:s25], [sflag:$0x1] =	stream.indirect.gather [hbm4b:s11+s13], $0x20, s17, s13, $0xb8;
	[tilespmem:$0x10400] =	vst v63  }
0x37: {  	_ = 	snop  }
0x38: {  	[tilespmem:s26], [sflag:$0x1] =	stream.indirect.gather [hbm4b:s12+s13], $0x20, s18, s13, $0xb8;
	[tilespmem:$0x10400] =	vst v63  }
0x39: {  	_ = 	snop  }
0x3a: {  	[tilespmem:s29], [sflag:$0x1] =	stream.indirect.gather [hbm4b:s9+s13], $0x20, s21, s13, $0xb8;
	[tilespmem:$0x10400] =	vst v63  }
0x3b: {  	_ = 	snop  }
0x3c: {  	[tilespmem:s30], [sflag:$0x1] =	stream.indirect.gather [hbm4b:s10+s13], $0x20, s28, s13, $0xb8;
	[tilespmem:$0x10400] =	vst v63  }
0x3d: {  	_ = 	snop  }
0x3e: {  	[tilespmem:s31], [sflag:$0x1] =	stream.indirect.gather [hbm4b:s11+s13], $0x20, s21, s13, $0xb8;
	[tilespmem:$0x10400] =	vst v63  }
0x3f: {  	_ = 	snop  }
0x40: {  	[tilespmem:s20], [sflag:$0x1] =	stream.indirect.gather [hbm4b:s12+s13], $0x20, s28, s13, $0xb8;
	[tilespmem:$0x10400] =	vst v63  }
0x41: {  	_ =	swait.ge [sflag:s8], $0x1000  }
0x42: {  	[sflag:s8] =	ssyncset.done $0x0  }
0x43: {  	[sflag:s8] =	ssyncadd.s32 $0xFFFFF000  }
0x44: {  	_ =	swait.ge [sflag:s8], $0x1000  }
0x45: {  	[sflag:s8] =	ssyncset.done $0x0  }
0x46: {  	[sflag:s8] =	ssyncadd.s32 $0xFFFFF000  }
0x47: {  	_ =	swait.ge [sflag:s8], $0x1000  }
0x48: {  	[sflag:s8] =	ssyncset.done $0x0  }
0x49: {  	[sflag:s8] =	ssyncadd.s32 $0xFFFFF000  }
0x4a: {  	_ =	swait.ge [sflag:s8], $0x1000  }
0x4b: {  	[sflag:s8] =	ssyncset.done $0x0  }
0x4c: {  	[sflag:s8] =	ssyncadd.s32 $0xFFFFF000  }
0x4d: {  	_ =	swait.ge [sflag:s8], $0x1000  }
0x4e: {  	[sflag:s8] =	ssyncset.done $0x0  }
0x4f: {  	[sflag:s8] =	ssyncadd.s32 $0xFFFFF000  }
0x50: {  	_ =	swait.ge [sflag:s8], $0x1000  }
0x51: {  	[sflag:s8] =	ssyncset.done $0x0  }
0x52: {  	[sflag:s8] =	ssyncadd.s32 $0xFFFFF000  }
0x53: {  	_ =	swait.ge [sflag:s8], $0x1000  }
0x54: {  	[sflag:s8] =	ssyncset.done $0x0  }
0x55: {  	[sflag:s8] =	ssyncadd.s32 $0xFFFFF000  }
0x56: {  	_ =	swait.ge [sflag:s8], $0x1000  }
0x57: {  	[sflag:s8] =	ssyncset.done $0x0  }
0x58: {  	[sflag:s8] =	ssyncadd.s32 $0xFFFFF000  }
0x59: {  	_ =	swait.ge [sflag:s8], $0x1000  }
0x5a: {  	[sflag:s8] =	ssyncset.done $0x0  }
0x5b: {  	[sflag:s8] =	ssyncadd.s32 $0xFFFFF000  }
0x5c: {  	_ =	swait.ge [sflag:s8], $0x1000  }
0x5d: {  	[sflag:s8] =	ssyncset.done $0x0  }
0x5e: {  	[sflag:s8] =	ssyncadd.s32 $0xFFFFF000  }
0x5f: {  	_ =	swait.ge [sflag:s8], $0x1000  }
0x60: {  	[sflag:s8] =	ssyncset.done $0x0  }
0x61: {  	[sflag:s8] =	ssyncadd.s32 $0xFFFFF000  }
0x62: {  	_ =	swait.ge [sflag:s8], $0x1000  }
0x63: {  	[sflag:s8] =	ssyncset.done $0x0  }
0x64: {  	[sflag:s8] =	ssyncadd.s32 $0xFFFFF000  }
0x65: {  	_ =	swait.ge [sflag:s8], $0x1000  }
0x66: {  	[sflag:s8] =	ssyncset.done $0x0  }
0x67: {  	[sflag:s8] =	ssyncadd.s32 $0xFFFFF000  }
0x68: {  	_ =	swait.ge [sflag:s8], $0x1000  }
0x69: {  	[sflag:s8] =	ssyncset.done $0x0  }
0x6a: {  	[sflag:s8] =	ssyncadd.s32 $0xFFFFF000  }
0x6b: {  	_ =	swait.ge [sflag:s8], $0x1000  }
0x6c: {  	[sflag:s8] =	ssyncset.done $0x0  }
0x6d: {  	[sflag:s8] =	ssyncadd.s32 $0xFFFFF000  }
0x6e: {  	_ =	swait.ge [sflag:s8], $0x1000  }
0x6f: {  	[sflag:s8] =	ssyncset.done $0x0  }
0x70: {  	s0 =	rddreg [dreg:$0x6];
	[sflag:s8] =	ssyncadd.s32 $0xFFFFF000  }
0x71: {  	[hbm4b:s0+s2] =	stream.linear.scatter [tilespmem:s6], [sflag:$0x2], $0x4000, $0x38;
	[tilespmem:$0x10400] =	vst v63  }
0x72: {  	s1 =	rddreg [dreg:$0x7]  }
0x73: {  	[hbm4b:s1+s2] =	stream.linear.scatter [tilespmem:s5], [sflag:$0x2], $0x4000, $0x38;
	[tilespmem:$0x10400] =	vst v63  }
0x74: {  	s0 =	rddreg [dreg:$0x8]  }
0x75: {  	[hbm4b:s0+s2] =	stream.linear.scatter [tilespmem:s3], [sflag:$0x2], $0x4000, $0x38;
	[tilespmem:$0x10400] =	vst v63  }
0x76: {  	s1 =	rddreg [dreg:$0x9]  }
0x77: {  	[hbm4b:s1+s2] =	stream.linear.scatter [tilespmem:s4], [sflag:$0x2], $0x4000, $0x38;
	[tilespmem:$0x10400] =	vst v63  }
0x78: {  	_ =	swait.ge [sflag:s7], $0x4000  }
0x79: {  	[sflag:s7] =	ssyncset.done $0x0  }
0x7a: {  	[sflag:s7] =	ssyncadd.s32 $0xFFFFC000  }
0x7b: {  	_ =	swait.ge [sflag:s7], $0x4000  }
0x7c: {  	[sflag:s7] =	ssyncset.done $0x0  }
0x7d: {  	p1 =	sne.s32 s19, $0x1;
	[sflag:s7] =	ssyncadd.s32 $0xFFFFC000  }
.Ltmp1:
0x7e: {  	_ =	swait.ge [sflag:s7], $0x4000;
	(pc) =	sbr.rel @!p1 .LBB2_3-.Ltmp1, $4  }
0x7f: {  	[sflag:s7] =	ssyncset.done $0x0  }
0x80: {  	[sflag:s7] =	ssyncadd.s32 $0xFFFFC000  }
0x81: {  	p0 =	por $0x1, $0x1;
	_ =	swait.ge [sflag:s7], $0x4000  }
0x82: {  	s0 =	sadd.s32 $0xFFFFFFFF, s19;
	s1 =	rddreg [dreg:$0x4];
	[sflag:s7] =	ssyncset.done $0x0  }
.LBB2_4:
0x83: {  	[sflag:s7] =	ssyncadd.s32 $0xFFFFC000  }
0x84: {  	[tilespmem:s2], [sflag:$0x3] =	stream.linear.gather [hbm4b:s1+s2], $0x200, $0x38;
	[tilespmem:$0x10400] =	vst v63  }
0x85: {  	_ =	swait.ge [sflag:s16], $0x200  }
0x86: {  	[sflag:s16] =	ssyncset.done $0x0  }
0x87: {  	s19 =	rddreg [dreg:$0x5];
	[sflag:s16] =	ssyncadd.s32 $0xFFFFFE00  }
0x88: {  	[tilespmem:s14], [sflag:$0x3] =	stream.linear.gather [hbm4b:s19+s2], $0x200, $0x38;
	[tilespmem:$0x10400] =	vst v63  }
0x89: {  	_ =	swait.ge [sflag:s16], $0x200  }
0x8a: {  	[sflag:s16] =	ssyncset.done $0x0  }
0x8b: {  	[sflag:s16] =	ssyncadd.s32 $0xFFFFFE00  }
0x8c: {  	[tilespmem:s6], [sflag:$0x1] =	stream.indirect.gather [hbm4b:s9+s13], $0x20, s2, s13, $0xb8;
	[tilespmem:$0x10400] =	vst v63  }
0x8d: {  	_ = 	snop  }
0x8e: {  	[tilespmem:s5], [sflag:$0x1] =	stream.indirect.gather [hbm4b:s10+s13], $0x20, s14, s13, $0xb8;
	[tilespmem:$0x10400] =	vst v63  }
0x8f: {  	_ = 	snop  }
0x90: {  	[tilespmem:s3], [sflag:$0x1] =	stream.indirect.gather [hbm4b:s11+s13], $0x20, s2, s13, $0xb8;
	[tilespmem:$0x10400] =	vst v63  }
0x91: {  	_ = 	snop  }
0x92: {  	[tilespmem:s4], [sflag:$0x1] =	stream.indirect.gather [hbm4b:s12+s13], $0x20, s14, s13, $0xb8;
	[tilespmem:$0x10400] =	vst v63  }
0x93: {  	s1 =	rddreg [dreg:$0xa]  }
0x94: {  	[tilespmem:s1], [sflag:$0x1] =	stream.indirect.gather [hbm4b:s9+s13], $0x20, s13, s13, $0xb8;
	[tilespmem:$0x10400] =	vst v63  }
0x95: {  	s19 =	rddreg [dreg:$0xb]  }
0x96: {  	[tilespmem:s19], [sflag:$0x1] =	stream.indirect.gather [hbm4b:s10+s13], $0x20, s15, s13, $0xb8;
	[tilespmem:$0x10400] =	vst v63  }
0x97: {  	s19 =	simm.s32 $0x9400  }
0x98: {  	[tilespmem:s19], [sflag:$0x1] =	stream.indirect.gather [hbm4b:s11+s13], $0x20, s13, s13, $0xb8;
	[tilespmem:$0x10400] =	vst v63  }
0x99: {  	_ = 	snop  }
0x9a: {  	[tilespmem:s22], [sflag:$0x1] =	stream.indirect.gather [hbm4b:s12+s13], $0x20, s15, s13, $0xb8;
	[tilespmem:$0x10400] =	vst v63  }
0x9b: {  	_ = 	snop  }
0x9c: {  	[tilespmem:s23], [sflag:$0x1] =	stream.indirect.gather [hbm4b:s9+s13], $0x20, s17, s13, $0xb8;
	[tilespmem:$0x10400] =	vst v63  }
0x9d: {  	_ = 	snop  }
0x9e: {  	[tilespmem:s24], [sflag:$0x1] =	stream.indirect.gather [hbm4b:s10+s13], $0x20, s18, s13, $0xb8;
	[tilespmem:$0x10400] =	vst v63  }
0x9f: {  	_ = 	snop  }
0xa0: {  	[tilespmem:s25], [sflag:$0x1] =	stream.indirect.gather [hbm4b:s11+s13], $0x20, s17, s13, $0xb8;
	[tilespmem:$0x10400] =	vst v63  }
0xa1: {  	_ = 	snop  }
0xa2: {  	[tilespmem:s26], [sflag:$0x1] =	stream.indirect.gather [hbm4b:s12+s13], $0x20, s18, s13, $0xb8;
	[tilespmem:$0x10400] =	vst v63  }
0xa3: {  	_ = 	snop  }
0xa4: {  	[tilespmem:s29], [sflag:$0x1] =	stream.indirect.gather [hbm4b:s9+s13], $0x20, s21, s13, $0xb8;
	[tilespmem:$0x10400] =	vst v63  }
0xa5: {  	_ = 	snop  }
0xa6: {  	[tilespmem:s30], [sflag:$0x1] =	stream.indirect.gather [hbm4b:s10+s13], $0x20, s28, s13, $0xb8;
	[tilespmem:$0x10400] =	vst v63  }
0xa7: {  	_ = 	snop  }
0xa8: {  	[tilespmem:s31], [sflag:$0x1] =	stream.indirect.gather [hbm4b:s11+s13], $0x20, s21, s13, $0xb8;
	[tilespmem:$0x10400] =	vst v63  }
0xa9: {  	_ = 	snop  }
0xaa: {  	[tilespmem:s20], [sflag:$0x1] =	stream.indirect.gather [hbm4b:s12+s13], $0x20, s28, s13, $0xb8;
	[tilespmem:$0x10400] =	vst v63  }
0xab: {  	_ =	swait.ge [sflag:s8], $0x1000  }
0xac: {  	[sflag:s8] =	ssyncset.done $0x0  }
0xad: {  	[sflag:s8] =	ssyncadd.s32 $0xFFFFF000  }
0xae: {  	_ =	swait.ge [sflag:s8], $0x1000  }
0xaf: {  	[sflag:s8] =	ssyncset.done $0x0  }
0xb0: {  	[sflag:s8] =	ssyncadd.s32 $0xFFFFF000  }
0xb1: {  	_ =	swait.ge [sflag:s8], $0x1000  }
0xb2: {  	[sflag:s8] =	ssyncset.done $0x0  }
0xb3: {  	[sflag:s8] =	ssyncadd.s32 $0xFFFFF000  }
0xb4: {  	_ =	swait.ge [sflag:s8], $0x1000  }
0xb5: {  	[sflag:s8] =	ssyncset.done $0x0  }
0xb6: {  	[sflag:s8] =	ssyncadd.s32 $0xFFFFF000  }
0xb7: {  	_ =	swait.ge [sflag:s8], $0x1000  }
0xb8: {  	[sflag:s8] =	ssyncset.done $0x0  }
0xb9: {  	[sflag:s8] =	ssyncadd.s32 $0xFFFFF000  }
0xba: {  	_ =	swait.ge [sflag:s8], $0x1000  }
0xbb: {  	[sflag:s8] =	ssyncset.done $0x0  }
0xbc: {  	[sflag:s8] =	ssyncadd.s32 $0xFFFFF000  }
0xbd: {  	_ =	swait.ge [sflag:s8], $0x1000  }
0xbe: {  	[sflag:s8] =	ssyncset.done $0x0  }
0xbf: {  	[sflag:s8] =	ssyncadd.s32 $0xFFFFF000  }
0xc0: {  	_ =	swait.ge [sflag:s8], $0x1000  }
0xc1: {  	[sflag:s8] =	ssyncset.done $0x0  }
0xc2: {  	[sflag:s8] =	ssyncadd.s32 $0xFFFFF000  }
0xc3: {  	_ =	swait.ge [sflag:s8], $0x1000  }
0xc4: {  	[sflag:s8] =	ssyncset.done $0x0  }
0xc5: {  	[sflag:s8] =	ssyncadd.s32 $0xFFFFF000  }
0xc6: {  	_ =	swait.ge [sflag:s8], $0x1000  }
0xc7: {  	[sflag:s8] =	ssyncset.done $0x0  }
0xc8: {  	[sflag:s8] =	ssyncadd.s32 $0xFFFFF000  }
0xc9: {  	_ =	swait.ge [sflag:s8], $0x1000  }
0xca: {  	[sflag:s8] =	ssyncset.done $0x0  }
0xcb: {  	[sflag:s8] =	ssyncadd.s32 $0xFFFFF000  }
0xcc: {  	_ =	swait.ge [sflag:s8], $0x1000  }
0xcd: {  	[sflag:s8] =	ssyncset.done $0x0  }
0xce: {  	[sflag:s8] =	ssyncadd.s32 $0xFFFFF000  }
0xcf: {  	_ =	swait.ge [sflag:s8], $0x1000  }
0xd0: {  	[sflag:s8] =	ssyncset.done $0x0  }
0xd1: {  	[sflag:s8] =	ssyncadd.s32 $0xFFFFF000  }
0xd2: {  	_ =	swait.ge [sflag:s8], $0x1000  }
0xd3: {  	[sflag:s8] =	ssyncset.done $0x0  }
0xd4: {  	[sflag:s8] =	ssyncadd.s32 $0xFFFFF000  }
0xd5: {  	_ =	swait.ge [sflag:s8], $0x1000  }
0xd6: {  	[sflag:s8] =	ssyncset.done $0x0  }
0xd7: {  	[sflag:s8] =	ssyncadd.s32 $0xFFFFF000  }
0xd8: {  	_ =	swait.ge [sflag:s8], $0x1000  }
0xd9: {  	[sflag:s8] =	ssyncset.done $0x0  }
0xda: {  	s1 =	rddreg [dreg:$0x6];
	[sflag:s8] =	ssyncadd.s32 $0xFFFFF000  }
0xdb: {  	[hbm4b:s1+s2] =	stream.linear.scatter [tilespmem:s6], [sflag:$0x2], $0x4000, $0x38;
	[tilespmem:$0x10400] =	vst v63  }
0xdc: {  	s19 =	rddreg [dreg:$0x7]  }
0xdd: {  	[hbm4b:s19+s2] =	stream.linear.scatter [tilespmem:s5], [sflag:$0x2], $0x4000, $0x38;
	[tilespmem:$0x10400] =	vst v63  }
0xde: {  	s1 =	rddreg [dreg:$0x8]  }
0xdf: {  	[hbm4b:s1+s2] =	stream.linear.scatter [tilespmem:s3], [sflag:$0x2], $0x4000, $0x38;
	[tilespmem:$0x10400] =	vst v63  }
0xe0: {  	s19 =	rddreg [dreg:$0x9]  }
0xe1: {  	[hbm4b:s19+s2] =	stream.linear.scatter [tilespmem:s4], [sflag:$0x2], $0x4000, $0x38;
	[tilespmem:$0x10400] =	vst v63  }
0xe2: {  	_ =	swait.ge [sflag:s7], $0x4000  }
0xe3: {  	[sflag:s7] =	ssyncset.done $0x0  }
0xe4: {  	[sflag:s7] =	ssyncadd.s32 $0xFFFFC000  }
0xe5: {  	_ =	swait.ge [sflag:s7], $0x4000  }
0xe6: {  	[sflag:s7] =	ssyncset.done $0x0  }
0xe7: {  	p1 =	sne.s32 s0, $0x1;
	[sflag:s7] =	ssyncadd.s32 $0xFFFFC000  }
.Ltmp2:
0xe8: {  	_ =	swait.ge [sflag:s7], $0x4000;
	(pc) =	sbr.rel @p1 .LBB2_4-.Ltmp2, $4  }
0xe9: {  	[sflag:s7] =	ssyncset.done $0x0  }
0xea: {  	[sflag:s7] =	ssyncadd.s32 $0xFFFFC000  }
0xeb: {  	_ =	swait.ge [sflag:s7], $0x4000  }
0xec: {  	s0 =	sadd.s32 $0xFFFFFFFF, s0;
	s1 =	rddreg [dreg:$0x4];
	[sflag:s7] =	ssyncset.done $0x0  }
0xed: {  	s31 =	simm.s32 $0xB400  }
0xee: {  	s30 =	simm.s32 $0x7400;
	s29 =	simm.s32 $0x3400;
	s26 =	simm.s32 $0xE400  }
0xef: {  	s25 =	simm.s32 $0xA400;
	s24 =	simm.s32 $0x6400;
	s23 =	simm.s32 $0x2400  }
0xf0: {  	s22 =	simm.s32 $0xD400;
	s20 =	simm.s32 $0x9400;
	s19 =	rddreg [dreg:$0x3]  }
.LBB2_6:
0xf1: {  	[sflag:s7] =	ssyncadd.s32 @p0 $0xFFFFC000  }
0xf2: {  	[tilespmem:s2], [sflag:$0x3] =	stream.linear.gather [hbm4b:s1+s2], $0x200, $0x38;
	[tilespmem:$0x10400] =	vst v63  }
0xf3: {  	_ =	swait.ge [sflag:s16], $0x200  }
0xf4: {  	[sflag:s16] =	ssyncset.done $0x0  }
0xf5: {  	s0 =	rddreg [dreg:$0x5];
	[sflag:s16] =	ssyncadd.s32 $0xFFFFFE00  }
0xf6: {  	[tilespmem:s14], [sflag:$0x3] =	stream.linear.gather [hbm4b:s0+s2], $0x200, $0x38;
	[tilespmem:$0x10400] =	vst v63  }
0xf7: {  	_ =	swait.ge [sflag:s16], $0x200  }
0xf8: {  	[sflag:s16] =	ssyncset.done $0x0  }
0xf9: {  	[sflag:s16] =	ssyncadd.s32 $0xFFFFFE00  }
0xfa: {  	[tilespmem:s6], [sflag:$0x1] =	stream.indirect.gather [hbm4b:s9+s13], $0x20, s2, s13, $0xb8;
	[tilespmem:$0x10400] =	vst v63  }
0xfb: {  	_ = 	snop  }
0xfc: {  	[tilespmem:s5], [sflag:$0x1] =	stream.indirect.gather [hbm4b:s10+s13], $0x20, s14, s13, $0xb8;
	[tilespmem:$0x10400] =	vst v63  }
0xfd: {  	_ = 	snop  }
0xfe: {  	[tilespmem:s3], [sflag:$0x1] =	stream.indirect.gather [hbm4b:s11+s13], $0x20, s2, s13, $0xb8;
	[tilespmem:$0x10400] =	vst v63  }
0xff: {  	_ = 	snop  }
0x100: {  	[tilespmem:s4], [sflag:$0x1] =	stream.indirect.gather [hbm4b:s12+s13], $0x20, s14, s13, $0xb8;
	[tilespmem:$0x10400] =	vst v63  }
0x101: {  	s1 =	rddreg [dreg:$0xa]  }
0x102: {  	[tilespmem:s1], [sflag:$0x1] =	stream.indirect.gather [hbm4b:s9+s13], $0x20, s13, s13, $0xb8;
	[tilespmem:$0x10400] =	vst v63  }
0x103: {  	s16 =	rddreg [dreg:$0xb]  }
0x104: {  	[tilespmem:s16], [sflag:$0x1] =	stream.indirect.gather [hbm4b:s10+s13], $0x20, s15, s13, $0xb8;
	[tilespmem:$0x10400] =	vst v63  }
0x105: {  	_ = 	snop  }
0x106: {  	[tilespmem:s20], [sflag:$0x1] =	stream.indirect.gather [hbm4b:s11+s13], $0x20, s13, s13, $0xb8;
	[tilespmem:$0x10400] =	vst v63  }
0x107: {  	_ = 	snop  }
0x108: {  	[tilespmem:s22], [sflag:$0x1] =	stream.indirect.gather [hbm4b:s12+s13], $0x20, s15, s13, $0xb8;
	[tilespmem:$0x10400] =	vst v63  }
0x109: {  	_ = 	snop  }
0x10a: {  	[tilespmem:s23], [sflag:$0x1] =	stream.indirect.gather [hbm4b:s9+s13], $0x20, s17, s13, $0xb8;
	[tilespmem:$0x10400] =	vst v63  }
0x10b: {  	_ = 	snop  }
0x10c: {  	[tilespmem:s24], [sflag:$0x1] =	stream.indirect.gather [hbm4b:s10+s13], $0x20, s18, s13, $0xb8;
	[tilespmem:$0x10400] =	vst v63  }
0x10d: {  	_ = 	snop  }
0x10e: {  	[tilespmem:s25], [sflag:$0x1] =	stream.indirect.gather [hbm4b:s11+s13], $0x20, s17, s13, $0xb8;
	[tilespmem:$0x10400] =	vst v63  }
0x10f: {  	_ = 	snop  }
0x110: {  	[tilespmem:s26], [sflag:$0x1] =	stream.indirect.gather [hbm4b:s12+s13], $0x20, s18, s13, $0xb8;
	[tilespmem:$0x10400] =	vst v63  }
0x111: {  	_ = 	snop  }
0x112: {  	[tilespmem:s29], [sflag:$0x1] =	stream.indirect.gather [hbm4b:s9+s13], $0x20, s21, s13, $0xb8;
	[tilespmem:$0x10400] =	vst v63  }
0x113: {  	_ = 	snop  }
0x114: {  	[tilespmem:s30], [sflag:$0x1] =	stream.indirect.gather [hbm4b:s10+s13], $0x20, s28, s13, $0xb8;
	[tilespmem:$0x10400] =	vst v63  }
0x115: {  	_ = 	snop  }
0x116: {  	[tilespmem:s31], [sflag:$0x1] =	stream.indirect.gather [hbm4b:s11+s13], $0x20, s21, s13, $0xb8;
	[tilespmem:$0x10400] =	vst v63  }
0x117: {  	s25 =	simm.s32 $0xF400  }
0x118: {  	[tilespmem:s25], [sflag:$0x1] =	stream.indirect.gather [hbm4b:s12+s13], $0x20, s28, s13, $0xb8;
	[tilespmem:$0x10400] =	vst v63  }
0x119: {  	_ =	swait.ge [sflag:s8], $0x1000  }
0x11a: {  	[sflag:s8] =	ssyncset.done $0x0  }
0x11b: {  	[sflag:s8] =	ssyncadd.s32 $0xFFFFF000  }
0x11c: {  	_ =	swait.ge [sflag:s8], $0x1000  }
0x11d: {  	[sflag:s8] =	ssyncset.done $0x0  }
0x11e: {  	[sflag:s8] =	ssyncadd.s32 $0xFFFFF000  }
0x11f: {  	_ =	swait.ge [sflag:s8], $0x1000  }
0x120: {  	[sflag:s8] =	ssyncset.done $0x0  }
0x121: {  	[sflag:s8] =	ssyncadd.s32 $0xFFFFF000  }
0x122: {  	_ =	swait.ge [sflag:s8], $0x1000  }
0x123: {  	[sflag:s8] =	ssyncset.done $0x0  }
0x124: {  	[sflag:s8] =	ssyncadd.s32 $0xFFFFF000  }
0x125: {  	_ =	swait.ge [sflag:s8], $0x1000  }
0x126: {  	[sflag:s8] =	ssyncset.done $0x0  }
0x127: {  	[sflag:s8] =	ssyncadd.s32 $0xFFFFF000  }
0x128: {  	_ =	swait.ge [sflag:s8], $0x1000  }
0x129: {  	[sflag:s8] =	ssyncset.done $0x0  }
0x12a: {  	[sflag:s8] =	ssyncadd.s32 $0xFFFFF000  }
0x12b: {  	_ =	swait.ge [sflag:s8], $0x1000  }
0x12c: {  	[sflag:s8] =	ssyncset.done $0x0  }
0x12d: {  	[sflag:s8] =	ssyncadd.s32 $0xFFFFF000  }
0x12e: {  	_ =	swait.ge [sflag:s8], $0x1000  }
0x12f: {  	[sflag:s8] =	ssyncset.done $0x0  }
0x130: {  	[sflag:s8] =	ssyncadd.s32 $0xFFFFF000  }
0x131: {  	_ =	swait.ge [sflag:s8], $0x1000  }
0x132: {  	[sflag:s8] =	ssyncset.done $0x0  }
0x133: {  	[sflag:s8] =	ssyncadd.s32 $0xFFFFF000  }
0x134: {  	_ =	swait.ge [sflag:s8], $0x1000  }
0x135: {  	[sflag:s8] =	ssyncset.done $0x0  }
0x136: {  	[sflag:s8] =	ssyncadd.s32 $0xFFFFF000  }
0x137: {  	_ =	swait.ge [sflag:s8], $0x1000  }
0x138: {  	[sflag:s8] =	ssyncset.done $0x0  }
0x139: {  	[sflag:s8] =	ssyncadd.s32 $0xFFFFF000  }
0x13a: {  	_ =	swait.ge [sflag:s8], $0x1000  }
0x13b: {  	[sflag:s8] =	ssyncset.done $0x0  }
0x13c: {  	[sflag:s8] =	ssyncadd.s32 $0xFFFFF000  }
0x13d: {  	_ =	swait.ge [sflag:s8], $0x1000  }
0x13e: {  	[sflag:s8] =	ssyncset.done $0x0  }
0x13f: {  	[sflag:s8] =	ssyncadd.s32 $0xFFFFF000  }
0x140: {  	_ =	swait.ge [sflag:s8], $0x1000  }
0x141: {  	[sflag:s8] =	ssyncset.done $0x0  }
0x142: {  	[sflag:s8] =	ssyncadd.s32 $0xFFFFF000  }
0x143: {  	_ =	swait.ge [sflag:s8], $0x1000  }
0x144: {  	[sflag:s8] =	ssyncset.done $0x0  }
0x145: {  	[sflag:s8] =	ssyncadd.s32 $0xFFFFF000  }
0x146: {  	_ =	swait.ge [sflag:s8], $0x1000  }
0x147: {  	[sflag:s8] =	ssyncset.done $0x0  }
0x148: {  	s26 =	rddreg [dreg:$0x6];
	[sflag:s8] =	ssyncadd.s32 $0xFFFFF000  }
0x149: {  	[hbm4b:s26+s2] =	stream.linear.scatter [tilespmem:s6], [sflag:$0x2], $0x4000, $0x38;
	[tilespmem:$0x10400] =	vst v63  }
0x14a: {  	s28 =	rddreg [dreg:$0x7]  }
0x14b: {  	[hbm4b:s28+s2] =	stream.linear.scatter [tilespmem:s5], [sflag:$0x2], $0x4000, $0x38;
	[tilespmem:$0x10400] =	vst v63  }
0x14c: {  	s29 =	rddreg [dreg:$0x8]  }
0x14d: {  	[hbm4b:s29+s2] =	stream.linear.scatter [tilespmem:s3], [sflag:$0x2], $0x4000, $0x38;
	[tilespmem:$0x10400] =	vst v63  }
0x14e: {  	s30 =	rddreg [dreg:$0x9]  }
0x14f: {  	[hbm4b:s30+s2] =	stream.linear.scatter [tilespmem:s4], [sflag:$0x2], $0x4000, $0x38;
	[tilespmem:$0x10400] =	vst v63  }
0x150: {  	_ =	swait.ge [sflag:s7], $0x4000  }
0x151: {  	[sflag:s7] =	ssyncset.done $0x0  }
0x152: {  	[sflag:s7] =	ssyncadd.s32 $0xFFFFC000  }
0x153: {  	_ =	swait.ge [sflag:s7], $0x4000  }
0x154: {  	[sflag:s7] =	ssyncset.done $0x0  }
0x155: {  	[sflag:s7] =	ssyncadd.s32 $0xFFFFC000  }
0x156: {  	_ =	swait.ge [sflag:s7], $0x4000  }
0x157: {  	[sflag:s7] =	ssyncset.done $0x0  }
0x158: {  	[sflag:s7] =	ssyncadd.s32 $0xFFFFC000  }
0x159: {  	_ =	swait.ge [sflag:s7], $0x4000  }
0x15a: {  	[sflag:s7] =	ssyncset.done $0x0  }
0x15b: {  	[sflag:s7] =	ssyncadd.s32 $0xFFFFC000  }
0x15c: {  	_ =	sfence.sel $0x180000  }
0x15d: {  	s31 =	stileid.u32;
	[bflag:$0x0] =	sbarrier.arrive $0xFFFF  }
0x15e: {  	p0 =	sne.s32 s31, $0x0;
	_ =	strace $0x90000047  }
0x15f: {  	s0 =	sadd.s32 @!p0 $0x100000, s19;
	[bflag:$0x2] =	sbarrier.arrive $0xFFFF  }
0x160: {  	[sflag:s0] =	ssyncadd.tile.s32 @!p0 $0x1;
	_ =	shalt  }
.LBB2_1:
.Ltmp3:
0x161: {  	(pc) =	sbr.rel .LBB2_6-.Ltmp3, $4  }
0x162: {  	_ = 	snop  }
0x163: {  	s31 =	simm.s32 $0xB400;
	s30 =	simm.s32 $0x7400;
	s29 =	simm.s32 $0x3400  }
0x164: {  	s26 =	simm.s32 $0xE400;
	s25 =	simm.s32 $0xA400;
	s24 =	simm.s32 $0x6400  }
0x165: {  	s23 =	simm.s32 $0x2400;
	s22 =	simm.s32 $0xD400;
	s20 =	simm.s32 $0x9400  }
.LBB2_3:
.Ltmp4:
0x166: {  	(pc) =	sbr.rel .LBB2_6-.Ltmp4, $4  }
0x167: {  	s31 =	simm.s32 $0xB400  }
0x168: {  	s30 =	simm.s32 $0x7400;
	s29 =	simm.s32 $0x3400;
	s26 =	simm.s32 $0xE400  }
0x169: {  	s25 =	simm.s32 $0xA400;
	s24 =	simm.s32 $0x6400;
	s23 =	simm.s32 $0x2400  }
0x16a: {  	s22 =	simm.s32 $0xD400;
	s20 =	simm.s32 $0x9400;
	s19 =	rddreg [dreg:$0x3]  }
.Lfunc_end2:
_tile_overlayer_lowered:
.L_overlay_start_2:
0x16b: {  	(tag) =	ssettag $0x2  }
0x16c: {  	s0 =	rddreg [dreg:$0x0];
	s2 =	stileid.u32  }
0x16d: {  	s1 =	rddreg [dreg:$0x1];
	p0 =	sne.s32 s2, $0x0  }
0x16e: {  	s3 =	rddreg [dreg:$0x2];
	[bflag:$0x3] =	sbarrier.arrive $0xFFFF;
	s2 =	simm.s32 @!p0 $0x1C03  }
0x16f: {  	[timem:s3], [sflag:s2] =	dma.local @!p0 [hbm:s0], s1  }
0x170: {  	s0 =	simm.s32 @!p0 $0x3  }
0x171: {  	_ =	swait.ge @!p0 [sflag:s0], s1  }
0x172: {  	s1 =	ssub.s32 @!p0 $0x0, s1;
	[sflag:s0] =	ssyncset.done @!p0 $0x0  }
0x173: {  	[sflag:s0] =	ssyncadd.s32 @!p0 s1  }
0x174: {  	[bflag:$0x3] =	sbarrier.arrive $0xFFFF  }
0x175: {  	_ =	shalt  }

</sc_bundles>
